<compile_context>
chip_gen: v7x
topology: tpu7x:2x2x1
jax: 0.10.2.dev20260603
libtpu: 0.0.44.dev20260713+nightly
codegen_flags: <defaults>
</compile_context>

<pallas_src>
import functools

import jax
import jax.numpy as jnp
import numpy as np
from jax import lax
from jax.experimental import pallas as pl
from jax.experimental.pallas import tpu as pltpu
from jax.experimental.pallas import tpu_sc as plsc

_FIELD = 40000
_NF = 26
_NE = 22
_B = 16384
_D = 16
_NW = 32
_PT = _B // _NW
_C = 64
_G = _PT // _C
_ER = _C * _NE // 128
_LR = _C * _NF // 128
_OFFS = np.arange(_NF, dtype=np.int32) * _FIELD

_mesh = plsc.VectorSubcoreMesh(core_axis_name="c", subcore_axis_name="s")


@functools.partial(
    pl.kernel,
    out_type=jax.ShapeDtypeStruct((_B,), jnp.float32),
    mesh=_mesh,
    compiler_params=pltpu.CompilerParams(
        needs_layout_passes=False, use_tc_tiling_on_sc=False),
    scratch_types=[
        pltpu.VMEM((_C * _NE,), jnp.int32),
        pltpu.VMEM((_C * _NF,), jnp.int32),
        pltpu.VMEM((_C * _NE, _D), jnp.float32),
        pltpu.VMEM((_C * _NF + 16,), jnp.float32),
        pltpu.VMEM((_D * 16,), jnp.float32),
        pltpu.VMEM((_C,), jnp.float32),
        pltpu.VMEM((16,), jnp.float32),
        pltpu.SemaphoreType.DMA,
    ],
)
def _fm_sc(eidx_h, lidx_h, emb_h, lin_h, bias_h, out_h,
           eidx, lidx, embbuf, linbuf, tbuf, zbuf, biasv, sem):
    wid = lax.axis_index("s") * 2 + lax.axis_index("c")
    pltpu.sync_copy(bias_h, biasv)
    lanes = lax.iota(jnp.int32, 16)
    mask10 = lanes < 10

    def chunk(g, carry):
        ch = wid * _G + g
        pltpu.sync_copy(eidx_h.at[pl.ds(ch * (_C * _NE), _C * _NE)], eidx)
        pltpu.sync_copy(lidx_h.at[pl.ds(ch * (_C * _NF), _C * _NF)], lidx)
        cps = []
        for j in range(_ER):
            cps.append(pltpu.async_copy(
                emb_h.at[eidx.at[pl.ds(j * 128, 128)]],
                embbuf.at[pl.ds(j * 128, 128)], sem))
        for j in range(_LR):
            cps.append(pltpu.async_copy(
                lin_h.at[lidx.at[pl.ds(j * 128, 128)]],
                linbuf.at[pl.ds(j * 128, 128)], sem))
        for c in cps:
            c.wait()
        bv = biasv[...]

        def per_grp(grp, c2):
            def per_b(j, c3):
                b = grp * 16 + j
                eb = b * _NE
                E = [embbuf[eb + i, :] for i in range(_NE)]
                s = E[4]
                for i in range(5, 11):
                    s = s + E[i]
                acc = E[3] * s
                t = s + E[11] + E[12]
                t = t + E[3]
                acc = acc + E[2] * t
                t = t + E[2]
                acc = acc + E[1] * t
                t = t + E[1]
                acc = acc + E[0] * t
                for i in range(20):
                    acc = acc + E[i] * (E[i + 1] * E[i + 2])
                lb = b * _NF
                v1 = linbuf[pl.ds(lb, 16)]
                v2 = linbuf[pl.ds(lb + 16, 16)]
                v2 = jnp.where(mask10, v2, jnp.float32(0.0))
                acc = acc + v1 + v2 + bv
                plsc.store_scatter(tbuf, [lanes * 16 + j], acc)
                return c3

            lax.fori_loop(0, 16, per_b, 0)
            z = tbuf[pl.ds(0, 16)]
            for d in range(1, _D):
                z = z + tbuf[pl.ds(d * 16, 16)]
            zbuf[pl.ds(grp * 16, 16)] = 1.0 / (1.0 + jnp.exp(-z))
            return c2

        lax.fori_loop(0, _C // 16, per_grp, 0)
        pltpu.sync_copy(zbuf, out_h.at[pl.ds(ch * _C, _C)])
        return carry

    lax.fori_loop(0, _G, chunk, 0)


def kernel(x, emb_table, lin_table, lin_bias, genotype_2nd, genotype_3rd):
    del genotype_2nd, genotype_3rd
    xo = x + jnp.asarray(_OFFS)[None, :]
    eidx = xo[:, :_NE].reshape(-1)
    lidx = xo.reshape(-1)
    bias16 = jnp.pad(lin_bias.astype(jnp.float32), (0, 15))
    return _fm_sc(eidx, lidx, emb_table[:_NE * _FIELD], lin_table.reshape(-1),
                  bias16)

# --- scband reference (transcript-rebuilt; emitter-appended) ---
"""Pipeline reference for scband-network-ctr-sparse-498216206934 (READ-ONLY COPY).

The authoritative reference and input builder live on the scoring server;
editing this copy changes nothing except your own understanding.
"""

import jax, jax.numpy as jnp
import numpy as np

FIELD_DIMS = [40000] * 26
NUM_EMB = sum(FIELD_DIMS)
OFFSETS = np.concatenate([[0], np.cumsum(FIELD_DIMS)[:-1]]).astype(np.int32)
ROW = [0]*12 + [1]*11 + [2]*10 + [3]*7
COL = list(range(1, 13)) + list(range(2, 13)) + list(range(3, 13)) + list(range(4, 11))
F1 = list(range(0, 20))
F2 = list(range(1, 21))
F3 = list(range(2, 22))
BATCH = 16384
EMBED_DIM = 16


def setup_inputs(seed: int = 0):
    key = jax.random.key(seed)
    k1, k2, k3 = jax.random.split(key, 3)
    x = jax.random.randint(k1, (BATCH, 26), 0, 40000, dtype=jnp.int32)
    emb_table = jax.random.normal(k2, (NUM_EMB, EMBED_DIM), dtype=jnp.float32) * 0.01
    lin_table = jax.random.normal(k3, (NUM_EMB, 1), dtype=jnp.float32) * 0.01
    lin_bias = jnp.zeros((1,), dtype=jnp.float32)
    genotype_2nd = jnp.ones((40, 1), dtype=jnp.float32)
    genotype_3rd = jnp.ones((20, 1), dtype=jnp.float32)
    return {"x": x, "emb_table": emb_table, "lin_table": lin_table, "lin_bias": lin_bias, "genotype_2nd": genotype_2nd, "genotype_3rd": genotype_3rd}


def reference(x, emb_table, lin_table, lin_bias, genotype_2nd, genotype_3rd):
    offsets = jnp.asarray(OFFSETS, dtype=x.dtype)
    xo = x + offsets[None, :]
    emb = jnp.take(emb_table, xo, axis=0)  # (B, 26, D)
    row = jnp.asarray(ROW)
    col = jnp.asarray(COL)
    f1 = jnp.asarray(F1)
    f2 = jnp.asarray(F2)
    f3 = jnp.asarray(F3)
    # 3rd-order selected interactions
    p1 = emb[:, f1]
    q1 = emb[:, f2]
    r1 = emb[:, f3]
    inner_product_3rd = p1 * q1 * r1  # (B, 20, D)
    # 2nd-order selected interactions
    p = emb[:, row]
    q = emb[:, col]
    inner_product_2nd = p * q  # (B, 40, D)
    nasfm_2nd_prod = inner_product_2nd * jax.lax.stop_gradient(genotype_2nd)
    nasfm_2nd = jnp.sum(jnp.sum(nasfm_2nd_prod, axis=1), axis=1, keepdims=True)  # (B, 1)
    nasfm_3rd = jnp.sum(jnp.sum(inner_product_3rd, axis=1), axis=1, keepdims=True)  # (B, 1)
    nasfm = nasfm_2nd + nasfm_3rd
    # FeaturesLinear: sum of per-feature scalar weights + bias
    linear = jnp.sum(jnp.take(lin_table, xo, axis=0), axis=1) + lin_bias  # (B, 1)
    out = jax.nn.sigmoid(jnp.squeeze(linear + nasfm, axis=1))  # (B,)
    return out

if __name__ == "__main__":
    import jax
    _d = setup_inputs()
    print(jax.jit(kernel)(*tuple(_d.values())))

</pallas_src>

<mosaic_0001>
#map = affine_map<(d0, d1) -> (0)>
#map1 = affine_map<(d0, d1) -> (0, 0)>
module attributes {stable_mosaic.version = 14 : i64} {
  func.func @_fm_sc(%arg0: i32, %arg1: i32, %arg2: memref<360448xi32, #tpu.memory_space<hbm>>, %arg3: memref<425984xi32, #tpu.memory_space<hbm>>, %arg4: memref<880000x16xf32, #tpu.memory_space<hbm>>, %arg5: memref<1040000xf32, #tpu.memory_space<hbm>>, %arg6: memref<16xf32, #tpu.memory_space<hbm>>, %arg7: memref<16384xf32, #tpu.memory_space<hbm>>, %arg8: memref<1408xi32, #tpu.memory_space<vmem>>, %arg9: memref<1664xi32, #tpu.memory_space<vmem>>, %arg10: memref<1408x16xf32, #tpu.memory_space<vmem>>, %arg11: memref<1680xf32, #tpu.memory_space<vmem>>, %arg12: memref<256xf32, #tpu.memory_space<vmem>>, %arg13: memref<64xf32, #tpu.memory_space<vmem>>, %arg14: memref<16xf32, #tpu.memory_space<vmem>>, %arg15: memref<!tpu.dma_semaphore, #tpu.memory_space<semaphore_mem>>) attributes {dimension_semantics = [#tpu.dimension_semantics<core_parallel>, #tpu.dimension_semantics<subcore_parallel>], iteration_bounds = array<i64: 2, 16>, scalar_prefetch = 0 : i64, scratch_operands = 8 : i64, tpu.core_type = #tpu.core_type<sc_vector_subcore>, window_params = [{transform_indices = #map}, {transform_indices = #map}, {transform_indices = #map1}, {transform_indices = #map}, {transform_indices = #map}, {transform_indices = #map}]} {
    %mul3A = arith.constant 2 : i32
    %mul3A_0 = arith.muli %arg1, %mul3A : i32
    %add3A = arith.addi %mul3A_0, %arg0 : i32
    "tpu.region"() ({
      %run_scoped3A = tpu.sem_alloc : memref<!tpu.dma_semaphore, #tpu.memory_space<semaphore_mem>>
      tpu.enqueue_dma source(%arg6 : memref<16xf32, #tpu.memory_space<hbm>>) target(%arg14 : memref<16xf32, #tpu.memory_space<vmem>>) target_semaphore(%run_scoped3A : memref<!tpu.dma_semaphore, #tpu.memory_space<semaphore_mem>>)
      tpu.wait_dma2 semaphore(%run_scoped3A : memref<!tpu.dma_semaphore, #tpu.memory_space<semaphore_mem>>) src(%arg6 : memref<16xf32, #tpu.memory_space<hbm>>) dst(%arg14 : memref<16xf32, #tpu.memory_space<vmem>>)
      tpu.yield
    }) : () -> ()
    %iota3A = tpu.iota {dimensions = array<i32: 0>} : vector<16xi32>
    %lt3A = arith.constant 10 : i32
    %lt3A_1 = vector.broadcast %lt3A : i32 to vector<16xi32>
    %lt3A_2 = arith.cmpi slt, %iota3A, %lt3A_1 : vector<16xi32>
    %scan3A = arith.constant 0 : i32
    %scan3A_3 = arith.constant 0 : i32
    %scan3A_4 = arith.constant 8 : i32
    %scan3A_5 = arith.addi %scan3A_3, %scan3A_4 : i32
    %scan3A_6 = arith.constant 1 : i32
    scf.for %scan3A_8 = %scan3A_3 to %scan3A_5 step %scan3A_6  : i32 {
      %mul3A_9 = arith.constant 8 : i32
      %mul3A_10 = arith.muli %add3A, %mul3A_9 : i32
      %add3A_11 = arith.addi %mul3A_10, %scan3A_8 : i32
      %mul3A_12 = arith.constant 1408 : i32
      %mul3A_13 = arith.muli %add3A_11, %mul3A_12 : i32
      "tpu.region"() ({
        %run_scoped3A = tpu.sem_alloc : memref<!tpu.dma_semaphore, #tpu.memory_space<semaphore_mem>>
        %dma_start3A_355 = tpu.memref_slice %arg2[%mul3A_13] : memref<360448xi32, #tpu.memory_space<hbm>> -> memref<1408xi32, #tpu.memory_space<hbm>>
        %dma_start3A_356 = tpu.memref_slice %arg2[%mul3A_13] : memref<360448xi32, #tpu.memory_space<hbm>> -> memref<1408xi32, #tpu.memory_space<hbm>>
        tpu.enqueue_dma source(%dma_start3A_356 : memref<1408xi32, #tpu.memory_space<hbm>>) target(%arg8 : memref<1408xi32, #tpu.memory_space<vmem>>) target_semaphore(%run_scoped3A : memref<!tpu.dma_semaphore, #tpu.memory_space<semaphore_mem>>)
        %dma_wait3A_357 = tpu.memref_slice %arg2[%mul3A_13] : memref<360448xi32, #tpu.memory_space<hbm>> -> memref<1408xi32, #tpu.memory_space<hbm>>
        %dma_wait3A_358 = tpu.memref_slice %arg2[%mul3A_13] : memref<360448xi32, #tpu.memory_space<hbm>> -> memref<1408xi32, #tpu.memory_space<hbm>>
        tpu.wait_dma2 semaphore(%run_scoped3A : memref<!tpu.dma_semaphore, #tpu.memory_space<semaphore_mem>>) src(%dma_wait3A_358 : memref<1408xi32, #tpu.memory_space<hbm>>) dst(%arg8 : memref<1408xi32, #tpu.memory_space<vmem>>)
        tpu.yield
      }) : () -> ()
      %mul3A_14 = arith.constant 1664 : i32
      %mul3A_15 = arith.muli %add3A_11, %mul3A_14 : i32
      "tpu.region"() ({
        %run_scoped3A = tpu.sem_alloc : memref<!tpu.dma_semaphore, #tpu.memory_space<semaphore_mem>>
        %dma_start3A_355 = tpu.memref_slice %arg3[%mul3A_15] : memref<425984xi32, #tpu.memory_space<hbm>> -> memref<1664xi32, #tpu.memory_space<hbm>>
        %dma_start3A_356 = tpu.memref_slice %arg3[%mul3A_15] : memref<425984xi32, #tpu.memory_space<hbm>> -> memref<1664xi32, #tpu.memory_space<hbm>>
        tpu.enqueue_dma source(%dma_start3A_356 : memref<1664xi32, #tpu.memory_space<hbm>>) target(%arg9 : memref<1664xi32, #tpu.memory_space<vmem>>) target_semaphore(%run_scoped3A : memref<!tpu.dma_semaphore, #tpu.memory_space<semaphore_mem>>)
        %dma_wait3A_357 = tpu.memref_slice %arg3[%mul3A_15] : memref<425984xi32, #tpu.memory_space<hbm>> -> memref<1664xi32, #tpu.memory_space<hbm>>
        %dma_wait3A_358 = tpu.memref_slice %arg3[%mul3A_15] : memref<425984xi32, #tpu.memory_space<hbm>> -> memref<1664xi32, #tpu.memory_space<hbm>>
        tpu.wait_dma2 semaphore(%run_scoped3A : memref<!tpu.dma_semaphore, #tpu.memory_space<semaphore_mem>>) src(%dma_wait3A_358 : memref<1664xi32, #tpu.memory_space<hbm>>) dst(%arg9 : memref<1664xi32, #tpu.memory_space<vmem>>)
        tpu.yield
      }) : () -> ()
      %dma_start3A = arith.constant 0 : i32
      %dma_start3A_16 = arith.constant 0 : i32
      %dma_start3A_17 = tpu.memref_slice %arg10[%dma_start3A, %dma_start3A_16] : memref<1408x16xf32, #tpu.memory_space<vmem>> -> memref<128x16xf32, #tpu.memory_space<vmem>>
      %dma_start3A_18 = arith.constant 0 : i32
      %dma_start3A_19 = tpu.memref_slice %arg8[%dma_start3A_18] : memref<1408xi32, #tpu.memory_space<vmem>> -> memref<128xi32, #tpu.memory_space<vmem>>
      %dma_start3A_20 = arith.constant 0 : i32
      %dma_start3A_21 = arith.constant 0 : i32
      %dma_start3A_22 = tpu.memref_slice %arg4[%dma_start3A_20, %dma_start3A_21] : memref<880000x16xf32, #tpu.memory_space<hbm>> -> memref<880000x16xf32, #tpu.memory_space<hbm>>
      tpu.enqueue_indirect_dma source(%dma_start3A_22 : memref<880000x16xf32, #tpu.memory_space<hbm>>) target(%dma_start3A_17 : memref<128x16xf32, #tpu.memory_space<vmem>>) offsets(%dma_start3A_19 : memref<128xi32, #tpu.memory_space<vmem>>) semaphore(%arg15 : memref<!tpu.dma_semaphore, #tpu.memory_space<semaphore_mem>>)
      %dma_start3A_23 = arith.constant 128 : i32
      %dma_start3A_24 = arith.constant 0 : i32
      %dma_start3A_25 = tpu.memref_slice %arg10[%dma_start3A_23, %dma_start3A_24] : memref<1408x16xf32, #tpu.memory_space<vmem>> -> memref<128x16xf32, #tpu.memory_space<vmem>>
      %dma_start3A_26 = arith.constant 128 : i32
      %dma_start3A_27 = tpu.memref_slice %arg8[%dma_start3A_26] : memref<1408xi32, #tpu.memory_space<vmem>> -> memref<128xi32, #tpu.memory_space<vmem>>
      %dma_start3A_28 = arith.constant 0 : i32
      %dma_start3A_29 = arith.constant 0 : i32
      %dma_start3A_30 = tpu.memref_slice %arg4[%dma_start3A_28, %dma_start3A_29] : memref<880000x16xf32, #tpu.memory_space<hbm>> -> memref<880000x16xf32, #tpu.memory_space<hbm>>
      tpu.enqueue_indirect_dma source(%dma_start3A_30 : memref<880000x16xf32, #tpu.memory_space<hbm>>) target(%dma_start3A_25 : memref<128x16xf32, #tpu.memory_space<vmem>>) offsets(%dma_start3A_27 : memref<128xi32, #tpu.memory_space<vmem>>) semaphore(%arg15 : memref<!tpu.dma_semaphore, #tpu.memory_space<semaphore_mem>>)
      %dma_start3A_31 = arith.constant 256 : i32
      %dma_start3A_32 = arith.constant 0 : i32
      %dma_start3A_33 = tpu.memref_slice %arg10[%dma_start3A_31, %dma_start3A_32] : memref<1408x16xf32, #tpu.memory_space<vmem>> -> memref<128x16xf32, #tpu.memory_space<vmem>>
      %dma_start3A_34 = arith.constant 256 : i32
      %dma_start3A_35 = tpu.memref_slice %arg8[%dma_start3A_34] : memref<1408xi32, #tpu.memory_space<vmem>> -> memref<128xi32, #tpu.memory_space<vmem>>
      %dma_start3A_36 = arith.constant 0 : i32
      %dma_start3A_37 = arith.constant 0 : i32
      %dma_start3A_38 = tpu.memref_slice %arg4[%dma_start3A_36, %dma_start3A_37] : memref<880000x16xf32, #tpu.memory_space<hbm>> -> memref<880000x16xf32, #tpu.memory_space<hbm>>
      tpu.enqueue_indirect_dma source(%dma_start3A_38 : memref<880000x16xf32, #tpu.memory_space<hbm>>) target(%dma_start3A_33 : memref<128x16xf32, #tpu.memory_space<vmem>>) offsets(%dma_start3A_35 : memref<128xi32, #tpu.memory_space<vmem>>) semaphore(%arg15 : memref<!tpu.dma_semaphore, #tpu.memory_space<semaphore_mem>>)
      %dma_start3A_39 = arith.constant 384 : i32
      %dma_start3A_40 = arith.constant 0 : i32
      %dma_start3A_41 = tpu.memref_slice %arg10[%dma_start3A_39, %dma_start3A_40] : memref<1408x16xf32, #tpu.memory_space<vmem>> -> memref<128x16xf32, #tpu.memory_space<vmem>>
      %dma_start3A_42 = arith.constant 384 : i32
      %dma_start3A_43 = tpu.memref_slice %arg8[%dma_start3A_42] : memref<1408xi32, #tpu.memory_space<vmem>> -> memref<128xi32, #tpu.memory_space<vmem>>
      %dma_start3A_44 = arith.constant 0 : i32
      %dma_start3A_45 = arith.constant 0 : i32
      %dma_start3A_46 = tpu.memref_slice %arg4[%dma_start3A_44, %dma_start3A_45] : memref<880000x16xf32, #tpu.memory_space<hbm>> -> memref<880000x16xf32, #tpu.memory_space<hbm>>
      tpu.enqueue_indirect_dma source(%dma_start3A_46 : memref<880000x16xf32, #tpu.memory_space<hbm>>) target(%dma_start3A_41 : memref<128x16xf32, #tpu.memory_space<vmem>>) offsets(%dma_start3A_43 : memref<128xi32, #tpu.memory_space<vmem>>) semaphore(%arg15 : memref<!tpu.dma_semaphore, #tpu.memory_space<semaphore_mem>>)
      %dma_start3A_47 = arith.constant 512 : i32
      %dma_start3A_48 = arith.constant 0 : i32
      %dma_start3A_49 = tpu.memref_slice %arg10[%dma_start3A_47, %dma_start3A_48] : memref<1408x16xf32, #tpu.memory_space<vmem>> -> memref<128x16xf32, #tpu.memory_space<vmem>>
      %dma_start3A_50 = arith.constant 512 : i32
      %dma_start3A_51 = tpu.memref_slice %arg8[%dma_start3A_50] : memref<1408xi32, #tpu.memory_space<vmem>> -> memref<128xi32, #tpu.memory_space<vmem>>
      %dma_start3A_52 = arith.constant 0 : i32
      %dma_start3A_53 = arith.constant 0 : i32
      %dma_start3A_54 = tpu.memref_slice %arg4[%dma_start3A_52, %dma_start3A_53] : memref<880000x16xf32, #tpu.memory_space<hbm>> -> memref<880000x16xf32, #tpu.memory_space<hbm>>
      tpu.enqueue_indirect_dma source(%dma_start3A_54 : memref<880000x16xf32, #tpu.memory_space<hbm>>) target(%dma_start3A_49 : memref<128x16xf32, #tpu.memory_space<vmem>>) offsets(%dma_start3A_51 : memref<128xi32, #tpu.memory_space<vmem>>) semaphore(%arg15 : memref<!tpu.dma_semaphore, #tpu.memory_space<semaphore_mem>>)
      %dma_start3A_55 = arith.constant 640 : i32
      %dma_start3A_56 = arith.constant 0 : i32
      %dma_start3A_57 = tpu.memref_slice %arg10[%dma_start3A_55, %dma_start3A_56] : memref<1408x16xf32, #tpu.memory_space<vmem>> -> memref<128x16xf32, #tpu.memory_space<vmem>>
      %dma_start3A_58 = arith.constant 640 : i32
      %dma_start3A_59 = tpu.memref_slice %arg8[%dma_start3A_58] : memref<1408xi32, #tpu.memory_space<vmem>> -> memref<128xi32, #tpu.memory_space<vmem>>
      %dma_start3A_60 = arith.constant 0 : i32
      %dma_start3A_61 = arith.constant 0 : i32
      %dma_start3A_62 = tpu.memref_slice %arg4[%dma_start3A_60, %dma_start3A_61] : memref<880000x16xf32, #tpu.memory_space<hbm>> -> memref<880000x16xf32, #tpu.memory_space<hbm>>
      tpu.enqueue_indirect_dma source(%dma_start3A_62 : memref<880000x16xf32, #tpu.memory_space<hbm>>) target(%dma_start3A_57 : memref<128x16xf32, #tpu.memory_space<vmem>>) offsets(%dma_start3A_59 : memref<128xi32, #tpu.memory_space<vmem>>) semaphore(%arg15 : memref<!tpu.dma_semaphore, #tpu.memory_space<semaphore_mem>>)
      %dma_start3A_63 = arith.constant 768 : i32
      %dma_start3A_64 = arith.constant 0 : i32
      %dma_start3A_65 = tpu.memref_slice %arg10[%dma_start3A_63, %dma_start3A_64] : memref<1408x16xf32, #tpu.memory_space<vmem>> -> memref<128x16xf32, #tpu.memory_space<vmem>>
      %dma_start3A_66 = arith.constant 768 : i32
      %dma_start3A_67 = tpu.memref_slice %arg8[%dma_start3A_66] : memref<1408xi32, #tpu.memory_space<vmem>> -> memref<128xi32, #tpu.memory_space<vmem>>
      %dma_start3A_68 = arith.constant 0 : i32
      %dma_start3A_69 = arith.constant 0 : i32
      %dma_start3A_70 = tpu.memref_slice %arg4[%dma_start3A_68, %dma_start3A_69] : memref<880000x16xf32, #tpu.memory_space<hbm>> -> memref<880000x16xf32, #tpu.memory_space<hbm>>
      tpu.enqueue_indirect_dma source(%dma_start3A_70 : memref<880000x16xf32, #tpu.memory_space<hbm>>) target(%dma_start3A_65 : memref<128x16xf32, #tpu.memory_space<vmem>>) offsets(%dma_start3A_67 : memref<128xi32, #tpu.memory_space<vmem>>) semaphore(%arg15 : memref<!tpu.dma_semaphore, #tpu.memory_space<semaphore_mem>>)
      %dma_start3A_71 = arith.constant 896 : i32
      %dma_start3A_72 = arith.constant 0 : i32
      %dma_start3A_73 = tpu.memref_slice %arg10[%dma_start3A_71, %dma_start3A_72] : memref<1408x16xf32, #tpu.memory_space<vmem>> -> memref<128x16xf32, #tpu.memory_space<vmem>>
      %dma_start3A_74 = arith.constant 896 : i32
      %dma_start3A_75 = tpu.memref_slice %arg8[%dma_start3A_74] : memref<1408xi32, #tpu.memory_space<vmem>> -> memref<128xi32, #tpu.memory_space<vmem>>
      %dma_start3A_76 = arith.constant 0 : i32
      %dma_start3A_77 = arith.constant 0 : i32
      %dma_start3A_78 = tpu.memref_slice %arg4[%dma_start3A_76, %dma_start3A_77] : memref<880000x16xf32, #tpu.memory_space<hbm>> -> memref<880000x16xf32, #tpu.memory_space<hbm>>
      tpu.enqueue_indirect_dma source(%dma_start3A_78 : memref<880000x16xf32, #tpu.memory_space<hbm>>) target(%dma_start3A_73 : memref<128x16xf32, #tpu.memory_space<vmem>>) offsets(%dma_start3A_75 : memref<128xi32, #tpu.memory_space<vmem>>) semaphore(%arg15 : memref<!tpu.dma_semaphore, #tpu.memory_space<semaphore_mem>>)
      %dma_start3A_79 = arith.constant 1024 : i32
      %dma_start3A_80 = arith.constant 0 : i32
      %dma_start3A_81 = tpu.memref_slice %arg10[%dma_start3A_79, %dma_start3A_80] : memref<1408x16xf32, #tpu.memory_space<vmem>> -> memref<128x16xf32, #tpu.memory_space<vmem>>
      %dma_start3A_82 = arith.constant 1024 : i32
      %dma_start3A_83 = tpu.memref_slice %arg8[%dma_start3A_82] : memref<1408xi32, #tpu.memory_space<vmem>> -> memref<128xi32, #tpu.memory_space<vmem>>
      %dma_start3A_84 = arith.constant 0 : i32
      %dma_start3A_85 = arith.constant 0 : i32
      %dma_start3A_86 = tpu.memref_slice %arg4[%dma_start3A_84, %dma_start3A_85] : memref<880000x16xf32, #tpu.memory_space<hbm>> -> memref<880000x16xf32, #tpu.memory_space<hbm>>
      tpu.enqueue_indirect_dma source(%dma_start3A_86 : memref<880000x16xf32, #tpu.memory_space<hbm>>) target(%dma_start3A_81 : memref<128x16xf32, #tpu.memory_space<vmem>>) offsets(%dma_start3A_83 : memref<128xi32, #tpu.memory_space<vmem>>) semaphore(%arg15 : memref<!tpu.dma_semaphore, #tpu.memory_space<semaphore_mem>>)
      %dma_start3A_87 = arith.constant 1152 : i32
      %dma_start3A_88 = arith.constant 0 : i32
      %dma_start3A_89 = tpu.memref_slice %arg10[%dma_start3A_87, %dma_start3A_88] : memref<1408x16xf32, #tpu.memory_space<vmem>> -> memref<128x16xf32, #tpu.memory_space<vmem>>
      %dma_start3A_90 = arith.constant 1152 : i32
      %dma_start3A_91 = tpu.memref_slice %arg8[%dma_start3A_90] : memref<1408xi32, #tpu.memory_space<vmem>> -> memref<128xi32, #tpu.memory_space<vmem>>
      %dma_start3A_92 = arith.constant 0 : i32
      %dma_start3A_93 = arith.constant 0 : i32
      %dma_start3A_94 = tpu.memref_slice %arg4[%dma_start3A_92, %dma_start3A_93] : memref<880000x16xf32, #tpu.memory_space<hbm>> -> memref<880000x16xf32, #tpu.memory_space<hbm>>
      tpu.enqueue_indirect_dma source(%dma_start3A_94 : memref<880000x16xf32, #tpu.memory_space<hbm>>) target(%dma_start3A_89 : memref<128x16xf32, #tpu.memory_space<vmem>>) offsets(%dma_start3A_91 : memref<128xi32, #tpu.memory_space<vmem>>) semaphore(%arg15 : memref<!tpu.dma_semaphore, #tpu.memory_space<semaphore_mem>>)
      %dma_start3A_95 = arith.constant 1280 : i32
      %dma_start3A_96 = arith.constant 0 : i32
      %dma_start3A_97 = tpu.memref_slice %arg10[%dma_start3A_95, %dma_start3A_96] : memref<1408x16xf32, #tpu.memory_space<vmem>> -> memref<128x16xf32, #tpu.memory_space<vmem>>
      %dma_start3A_98 = arith.constant 1280 : i32
      %dma_start3A_99 = tpu.memref_slice %arg8[%dma_start3A_98] : memref<1408xi32, #tpu.memory_space<vmem>> -> memref<128xi32, #tpu.memory_space<vmem>>
      %dma_start3A_100 = arith.constant 0 : i32
      %dma_start3A_101 = arith.constant 0 : i32
      %dma_start3A_102 = tpu.memref_slice %arg4[%dma_start3A_100, %dma_start3A_101] : memref<880000x16xf32, #tpu.memory_space<hbm>> -> memref<880000x16xf32, #tpu.memory_space<hbm>>
      tpu.enqueue_indirect_dma source(%dma_start3A_102 : memref<880000x16xf32, #tpu.memory_space<hbm>>) target(%dma_start3A_97 : memref<128x16xf32, #tpu.memory_space<vmem>>) offsets(%dma_start3A_99 : memref<128xi32, #tpu.memory_space<vmem>>) semaphore(%arg15 : memref<!tpu.dma_semaphore, #tpu.memory_space<semaphore_mem>>)
      %dma_start3A_103 = arith.constant 0 : i32
      %dma_start3A_104 = tpu.memref_slice %arg11[%dma_start3A_103] : memref<1680xf32, #tpu.memory_space<vmem>> -> memref<128xf32, #tpu.memory_space<vmem>>
      %dma_start3A_105 = arith.constant 0 : i32
      %dma_start3A_106 = tpu.memref_slice %arg9[%dma_start3A_105] : memref<1664xi32, #tpu.memory_space<vmem>> -> memref<128xi32, #tpu.memory_space<vmem>>
      %dma_start3A_107 = arith.constant 0 : i32
      %dma_start3A_108 = tpu.memref_slice %arg5[%dma_start3A_107] : memref<1040000xf32, #tpu.memory_space<hbm>> -> memref<1040000xf32, #tpu.memory_space<hbm>>
      tpu.enqueue_indirect_dma source(%dma_start3A_108 : memref<1040000xf32, #tpu.memory_space<hbm>>) target(%dma_start3A_104 : memref<128xf32, #tpu.memory_space<vmem>>) offsets(%dma_start3A_106 : memref<128xi32, #tpu.memory_space<vmem>>) semaphore(%arg15 : memref<!tpu.dma_semaphore, #tpu.memory_space<semaphore_mem>>)
      %dma_start3A_109 = arith.constant 128 : i32
      %dma_start3A_110 = tpu.memref_slice %arg11[%dma_start3A_109] : memref<1680xf32, #tpu.memory_space<vmem>> -> memref<128xf32, #tpu.memory_space<vmem>>
      %dma_start3A_111 = arith.constant 128 : i32
      %dma_start3A_112 = tpu.memref_slice %arg9[%dma_start3A_111] : memref<1664xi32, #tpu.memory_space<vmem>> -> memref<128xi32, #tpu.memory_space<vmem>>
      %dma_start3A_113 = arith.constant 0 : i32
      %dma_start3A_114 = tpu.memref_slice %arg5[%dma_start3A_113] : memref<1040000xf32, #tpu.memory_space<hbm>> -> memref<1040000xf32, #tpu.memory_space<hbm>>
      tpu.enqueue_indirect_dma source(%dma_start3A_114 : memref<1040000xf32, #tpu.memory_space<hbm>>) target(%dma_start3A_110 : memref<128xf32, #tpu.memory_space<vmem>>) offsets(%dma_start3A_112 : memref<128xi32, #tpu.memory_space<vmem>>) semaphore(%arg15 : memref<!tpu.dma_semaphore, #tpu.memory_space<semaphore_mem>>)
      %dma_start3A_115 = arith.constant 256 : i32
      %dma_start3A_116 = tpu.memref_slice %arg11[%dma_start3A_115] : memref<1680xf32, #tpu.memory_space<vmem>> -> memref<128xf32, #tpu.memory_space<vmem>>
      %dma_start3A_117 = arith.constant 256 : i32
      %dma_start3A_118 = tpu.memref_slice %arg9[%dma_start3A_117] : memref<1664xi32, #tpu.memory_space<vmem>> -> memref<128xi32, #tpu.memory_space<vmem>>
      %dma_start3A_119 = arith.constant 0 : i32
      %dma_start3A_120 = tpu.memref_slice %arg5[%dma_start3A_119] : memref<1040000xf32, #tpu.memory_space<hbm>> -> memref<1040000xf32, #tpu.memory_space<hbm>>
      tpu.enqueue_indirect_dma source(%dma_start3A_120 : memref<1040000xf32, #tpu.memory_space<hbm>>) target(%dma_start3A_116 : memref<128xf32, #tpu.memory_space<vmem>>) offsets(%dma_start3A_118 : memref<128xi32, #tpu.memory_space<vmem>>) semaphore(%arg15 : memref<!tpu.dma_semaphore, #tpu.memory_space<semaphore_mem>>)
      %dma_start3A_121 = arith.constant 384 : i32
      %dma_start3A_122 = tpu.memref_slice %arg11[%dma_start3A_121] : memref<1680xf32, #tpu.memory_space<vmem>> -> memref<128xf32, #tpu.memory_space<vmem>>
      %dma_start3A_123 = arith.constant 384 : i32
      %dma_start3A_124 = tpu.memref_slice %arg9[%dma_start3A_123] : memref<1664xi32, #tpu.memory_space<vmem>> -> memref<128xi32, #tpu.memory_space<vmem>>
      %dma_start3A_125 = arith.constant 0 : i32
      %dma_start3A_126 = tpu.memref_slice %arg5[%dma_start3A_125] : memref<1040000xf32, #tpu.memory_space<hbm>> -> memref<1040000xf32, #tpu.memory_space<hbm>>
      tpu.enqueue_indirect_dma source(%dma_start3A_126 : memref<1040000xf32, #tpu.memory_space<hbm>>) target(%dma_start3A_122 : memref<128xf32, #tpu.memory_space<vmem>>) offsets(%dma_start3A_124 : memref<128xi32, #tpu.memory_space<vmem>>) semaphore(%arg15 : memref<!tpu.dma_semaphore, #tpu.memory_space<semaphore_mem>>)
      %dma_start3A_127 = arith.constant 512 : i32
      %dma_start3A_128 = tpu.memref_slice %arg11[%dma_start3A_127] : memref<1680xf32, #tpu.memory_space<vmem>> -> memref<128xf32, #tpu.memory_space<vmem>>
      %dma_start3A_129 = arith.constant 512 : i32
      %dma_start3A_130 = tpu.memref_slice %arg9[%dma_start3A_129] : memref<1664xi32, #tpu.memory_space<vmem>> -> memref<128xi32, #tpu.memory_space<vmem>>
      %dma_start3A_131 = arith.constant 0 : i32
      %dma_start3A_132 = tpu.memref_slice %arg5[%dma_start3A_131] : memref<1040000xf32, #tpu.memory_space<hbm>> -> memref<1040000xf32, #tpu.memory_space<hbm>>
      tpu.enqueue_indirect_dma source(%dma_start3A_132 : memref<1040000xf32, #tpu.memory_space<hbm>>) target(%dma_start3A_128 : memref<128xf32, #tpu.memory_space<vmem>>) offsets(%dma_start3A_130 : memref<128xi32, #tpu.memory_space<vmem>>) semaphore(%arg15 : memref<!tpu.dma_semaphore, #tpu.memory_space<semaphore_mem>>)
      %dma_start3A_133 = arith.constant 640 : i32
      %dma_start3A_134 = tpu.memref_slice %arg11[%dma_start3A_133] : memref<1680xf32, #tpu.memory_space<vmem>> -> memref<128xf32, #tpu.memory_space<vmem>>
      %dma_start3A_135 = arith.constant 640 : i32
      %dma_start3A_136 = tpu.memref_slice %arg9[%dma_start3A_135] : memref<1664xi32, #tpu.memory_space<vmem>> -> memref<128xi32, #tpu.memory_space<vmem>>
      %dma_start3A_137 = arith.constant 0 : i32
      %dma_start3A_138 = tpu.memref_slice %arg5[%dma_start3A_137] : memref<1040000xf32, #tpu.memory_space<hbm>> -> memref<1040000xf32, #tpu.memory_space<hbm>>
      tpu.enqueue_indirect_dma source(%dma_start3A_138 : memref<1040000xf32, #tpu.memory_space<hbm>>) target(%dma_start3A_134 : memref<128xf32, #tpu.memory_space<vmem>>) offsets(%dma_start3A_136 : memref<128xi32, #tpu.memory_space<vmem>>) semaphore(%arg15 : memref<!tpu.dma_semaphore, #tpu.memory_space<semaphore_mem>>)
      %dma_start3A_139 = arith.constant 768 : i32
      %dma_start3A_140 = tpu.memref_slice %arg11[%dma_start3A_139] : memref<1680xf32, #tpu.memory_space<vmem>> -> memref<128xf32, #tpu.memory_space<vmem>>
      %dma_start3A_141 = arith.constant 768 : i32
      %dma_start3A_142 = tpu.memref_slice %arg9[%dma_start3A_141] : memref<1664xi32, #tpu.memory_space<vmem>> -> memref<128xi32, #tpu.memory_space<vmem>>
      %dma_start3A_143 = arith.constant 0 : i32
      %dma_start3A_144 = tpu.memref_slice %arg5[%dma_start3A_143] : memref<1040000xf32, #tpu.memory_space<hbm>> -> memref<1040000xf32, #tpu.memory_space<hbm>>
      tpu.enqueue_indirect_dma source(%dma_start3A_144 : memref<1040000xf32, #tpu.memory_space<hbm>>) target(%dma_start3A_140 : memref<128xf32, #tpu.memory_space<vmem>>) offsets(%dma_start3A_142 : memref<128xi32, #tpu.memory_space<vmem>>) semaphore(%arg15 : memref<!tpu.dma_semaphore, #tpu.memory_space<semaphore_mem>>)
      %dma_start3A_145 = arith.constant 896 : i32
      %dma_start3A_146 = tpu.memref_slice %arg11[%dma_start3A_145] : memref<1680xf32, #tpu.memory_space<vmem>> -> memref<128xf32, #tpu.memory_space<vmem>>
      %dma_start3A_147 = arith.constant 896 : i32
      %dma_start3A_148 = tpu.memref_slice %arg9[%dma_start3A_147] : memref<1664xi32, #tpu.memory_space<vmem>> -> memref<128xi32, #tpu.memory_space<vmem>>
      %dma_start3A_149 = arith.constant 0 : i32
      %dma_start3A_150 = tpu.memref_slice %arg5[%dma_start3A_149] : memref<1040000xf32, #tpu.memory_space<hbm>> -> memref<1040000xf32, #tpu.memory_space<hbm>>
      tpu.enqueue_indirect_dma source(%dma_start3A_150 : memref<1040000xf32, #tpu.memory_space<hbm>>) target(%dma_start3A_146 : memref<128xf32, #tpu.memory_space<vmem>>) offsets(%dma_start3A_148 : memref<128xi32, #tpu.memory_space<vmem>>) semaphore(%arg15 : memref<!tpu.dma_semaphore, #tpu.memory_space<semaphore_mem>>)
      %dma_start3A_151 = arith.constant 1024 : i32
      %dma_start3A_152 = tpu.memref_slice %arg11[%dma_start3A_151] : memref<1680xf32, #tpu.memory_space<vmem>> -> memref<128xf32, #tpu.memory_space<vmem>>
      %dma_start3A_153 = arith.constant 1024 : i32
      %dma_start3A_154 = tpu.memref_slice %arg9[%dma_start3A_153] : memref<1664xi32, #tpu.memory_space<vmem>> -> memref<128xi32, #tpu.memory_space<vmem>>
      %dma_start3A_155 = arith.constant 0 : i32
      %dma_start3A_156 = tpu.memref_slice %arg5[%dma_start3A_155] : memref<1040000xf32, #tpu.memory_space<hbm>> -> memref<1040000xf32, #tpu.memory_space<hbm>>
      tpu.enqueue_indirect_dma source(%dma_start3A_156 : memref<1040000xf32, #tpu.memory_space<hbm>>) target(%dma_start3A_152 : memref<128xf32, #tpu.memory_space<vmem>>) offsets(%dma_start3A_154 : memref<128xi32, #tpu.memory_space<vmem>>) semaphore(%arg15 : memref<!tpu.dma_semaphore, #tpu.memory_space<semaphore_mem>>)
      %dma_start3A_157 = arith.constant 1152 : i32
      %dma_start3A_158 = tpu.memref_slice %arg11[%dma_start3A_157] : memref<1680xf32, #tpu.memory_space<vmem>> -> memref<128xf32, #tpu.memory_space<vmem>>
      %dma_start3A_159 = arith.constant 1152 : i32
      %dma_start3A_160 = tpu.memref_slice %arg9[%dma_start3A_159] : memref<1664xi32, #tpu.memory_space<vmem>> -> memref<128xi32, #tpu.memory_space<vmem>>
      %dma_start3A_161 = arith.constant 0 : i32
      %dma_start3A_162 = tpu.memref_slice %arg5[%dma_start3A_161] : memref<1040000xf32, #tpu.memory_space<hbm>> -> memref<1040000xf32, #tpu.memory_space<hbm>>
      tpu.enqueue_indirect_dma source(%dma_start3A_162 : memref<1040000xf32, #tpu.memory_space<hbm>>) target(%dma_start3A_158 : memref<128xf32, #tpu.memory_space<vmem>>) offsets(%dma_start3A_160 : memref<128xi32, #tpu.memory_space<vmem>>) semaphore(%arg15 : memref<!tpu.dma_semaphore, #tpu.memory_space<semaphore_mem>>)
      %dma_start3A_163 = arith.constant 1280 : i32
      %dma_start3A_164 = tpu.memref_slice %arg11[%dma_start3A_163] : memref<1680xf32, #tpu.memory_space<vmem>> -> memref<128xf32, #tpu.memory_space<vmem>>
      %dma_start3A_165 = arith.constant 1280 : i32
      %dma_start3A_166 = tpu.memref_slice %arg9[%dma_start3A_165] : memref<1664xi32, #tpu.memory_space<vmem>> -> memref<128xi32, #tpu.memory_space<vmem>>
      %dma_start3A_167 = arith.constant 0 : i32
      %dma_start3A_168 = tpu.memref_slice %arg5[%dma_start3A_167] : memref<1040000xf32, #tpu.memory_space<hbm>> -> memref<1040000xf32, #tpu.memory_space<hbm>>
      tpu.enqueue_indirect_dma source(%dma_start3A_168 : memref<1040000xf32, #tpu.memory_space<hbm>>) target(%dma_start3A_164 : memref<128xf32, #tpu.memory_space<vmem>>) offsets(%dma_start3A_166 : memref<128xi32, #tpu.memory_space<vmem>>) semaphore(%arg15 : memref<!tpu.dma_semaphore, #tpu.memory_space<semaphore_mem>>)
      %dma_start3A_169 = arith.constant 1408 : i32
      %dma_start3A_170 = tpu.memref_slice %arg11[%dma_start3A_169] : memref<1680xf32, #tpu.memory_space<vmem>> -> memref<128xf32, #tpu.memory_space<vmem>>
      %dma_start3A_171 = arith.constant 1408 : i32
      %dma_start3A_172 = tpu.memref_slice %arg9[%dma_start3A_171] : memref<1664xi32, #tpu.memory_space<vmem>> -> memref<128xi32, #tpu.memory_space<vmem>>
      %dma_start3A_173 = arith.constant 0 : i32
      %dma_start3A_174 = tpu.memref_slice %arg5[%dma_start3A_173] : memref<1040000xf32, #tpu.memory_space<hbm>> -> memref<1040000xf32, #tpu.memory_space<hbm>>
      tpu.enqueue_indirect_dma source(%dma_start3A_174 : memref<1040000xf32, #tpu.memory_space<hbm>>) target(%dma_start3A_170 : memref<128xf32, #tpu.memory_space<vmem>>) offsets(%dma_start3A_172 : memref<128xi32, #tpu.memory_space<vmem>>) semaphore(%arg15 : memref<!tpu.dma_semaphore, #tpu.memory_space<semaphore_mem>>)
      %dma_start3A_175 = arith.constant 1536 : i32
      %dma_start3A_176 = tpu.memref_slice %arg11[%dma_start3A_175] : memref<1680xf32, #tpu.memory_space<vmem>> -> memref<128xf32, #tpu.memory_space<vmem>>
      %dma_start3A_177 = arith.constant 1536 : i32
      %dma_start3A_178 = tpu.memref_slice %arg9[%dma_start3A_177] : memref<1664xi32, #tpu.memory_space<vmem>> -> memref<128xi32, #tpu.memory_space<vmem>>
      %dma_start3A_179 = arith.constant 0 : i32
      %dma_start3A_180 = tpu.memref_slice %arg5[%dma_start3A_179] : memref<1040000xf32, #tpu.memory_space<hbm>> -> memref<1040000xf32, #tpu.memory_space<hbm>>
      tpu.enqueue_indirect_dma source(%dma_start3A_180 : memref<1040000xf32, #tpu.memory_space<hbm>>) target(%dma_start3A_176 : memref<128xf32, #tpu.memory_space<vmem>>) offsets(%dma_start3A_178 : memref<128xi32, #tpu.memory_space<vmem>>) semaphore(%arg15 : memref<!tpu.dma_semaphore, #tpu.memory_space<semaphore_mem>>)
      %dma_wait3A = arith.constant 0 : i32
      %dma_wait3A_181 = arith.constant 0 : i32
      %dma_wait3A_182 = tpu.memref_slice %arg10[%dma_wait3A, %dma_wait3A_181] : memref<1408x16xf32, #tpu.memory_space<vmem>> -> memref<128x16xf32, #tpu.memory_space<vmem>>
      %dma_wait3A_183 = arith.constant 0 : i32
      %dma_wait3A_184 = tpu.memref_slice %arg8[%dma_wait3A_183] : memref<1408xi32, #tpu.memory_space<vmem>> -> memref<128xi32, #tpu.memory_space<vmem>>
      %dma_wait3A_185 = arith.constant 0 : i32
      %dma_wait3A_186 = arith.constant 0 : i32
      %dma_wait3A_187 = tpu.memref_slice %arg4[%dma_wait3A_185, %dma_wait3A_186] : memref<880000x16xf32, #tpu.memory_space<hbm>> -> memref<880000x16xf32, #tpu.memory_space<hbm>>
      tpu.wait_indirect_dma semaphore(%arg15 : memref<!tpu.dma_semaphore, #tpu.memory_space<semaphore_mem>>) src(%dma_wait3A_187 : memref<880000x16xf32, #tpu.memory_space<hbm>>) dst(%dma_wait3A_182 : memref<128x16xf32, #tpu.memory_space<vmem>>)
      %dma_wait3A_188 = arith.constant 128 : i32
      %dma_wait3A_189 = arith.constant 0 : i32
      %dma_wait3A_190 = tpu.memref_slice %arg10[%dma_wait3A_188, %dma_wait3A_189] : memref<1408x16xf32, #tpu.memory_space<vmem>> -> memref<128x16xf32, #tpu.memory_space<vmem>>
      %dma_wait3A_191 = arith.constant 128 : i32
      %dma_wait3A_192 = tpu.memref_slice %arg8[%dma_wait3A_191] : memref<1408xi32, #tpu.memory_space<vmem>> -> memref<128xi32, #tpu.memory_space<vmem>>
      %dma_wait3A_193 = arith.constant 0 : i32
      %dma_wait3A_194 = arith.constant 0 : i32
      %dma_wait3A_195 = tpu.memref_slice %arg4[%dma_wait3A_193, %dma_wait3A_194] : memref<880000x16xf32, #tpu.memory_space<hbm>> -> memref<880000x16xf32, #tpu.memory_space<hbm>>
      tpu.wait_indirect_dma semaphore(%arg15 : memref<!tpu.dma_semaphore, #tpu.memory_space<semaphore_mem>>) src(%dma_wait3A_195 : memref<880000x16xf32, #tpu.memory_space<hbm>>) dst(%dma_wait3A_190 : memref<128x16xf32, #tpu.memory_space<vmem>>)
      %dma_wait3A_196 = arith.constant 256 : i32
      %dma_wait3A_197 = arith.constant 0 : i32
      %dma_wait3A_198 = tpu.memref_slice %arg10[%dma_wait3A_196, %dma_wait3A_197] : memref<1408x16xf32, #tpu.memory_space<vmem>> -> memref<128x16xf32, #tpu.memory_space<vmem>>
      %dma_wait3A_199 = arith.constant 256 : i32
      %dma_wait3A_200 = tpu.memref_slice %arg8[%dma_wait3A_199] : memref<1408xi32, #tpu.memory_space<vmem>> -> memref<128xi32, #tpu.memory_space<vmem>>
      %dma_wait3A_201 = arith.constant 0 : i32
      %dma_wait3A_202 = arith.constant 0 : i32
      %dma_wait3A_203 = tpu.memref_slice %arg4[%dma_wait3A_201, %dma_wait3A_202] : memref<880000x16xf32, #tpu.memory_space<hbm>> -> memref<880000x16xf32, #tpu.memory_space<hbm>>
      tpu.wait_indirect_dma semaphore(%arg15 : memref<!tpu.dma_semaphore, #tpu.memory_space<semaphore_mem>>) src(%dma_wait3A_203 : memref<880000x16xf32, #tpu.memory_space<hbm>>) dst(%dma_wait3A_198 : memref<128x16xf32, #tpu.memory_space<vmem>>)
      %dma_wait3A_204 = arith.constant 384 : i32
      %dma_wait3A_205 = arith.constant 0 : i32
      %dma_wait3A_206 = tpu.memref_slice %arg10[%dma_wait3A_204, %dma_wait3A_205] : memref<1408x16xf32, #tpu.memory_space<vmem>> -> memref<128x16xf32, #tpu.memory_space<vmem>>
      %dma_wait3A_207 = arith.constant 384 : i32
      %dma_wait3A_208 = tpu.memref_slice %arg8[%dma_wait3A_207] : memref<1408xi32, #tpu.memory_space<vmem>> -> memref<128xi32, #tpu.memory_space<vmem>>
      %dma_wait3A_209 = arith.constant 0 : i32
      %dma_wait3A_210 = arith.constant 0 : i32
      %dma_wait3A_211 = tpu.memref_slice %arg4[%dma_wait3A_209, %dma_wait3A_210] : memref<880000x16xf32, #tpu.memory_space<hbm>> -> memref<880000x16xf32, #tpu.memory_space<hbm>>
      tpu.wait_indirect_dma semaphore(%arg15 : memref<!tpu.dma_semaphore, #tpu.memory_space<semaphore_mem>>) src(%dma_wait3A_211 : memref<880000x16xf32, #tpu.memory_space<hbm>>) dst(%dma_wait3A_206 : memref<128x16xf32, #tpu.memory_space<vmem>>)
      %dma_wait3A_212 = arith.constant 512 : i32
      %dma_wait3A_213 = arith.constant 0 : i32
      %dma_wait3A_214 = tpu.memref_slice %arg10[%dma_wait3A_212, %dma_wait3A_213] : memref<1408x16xf32, #tpu.memory_space<vmem>> -> memref<128x16xf32, #tpu.memory_space<vmem>>
      %dma_wait3A_215 = arith.constant 512 : i32
      %dma_wait3A_216 = tpu.memref_slice %arg8[%dma_wait3A_215] : memref<1408xi32, #tpu.memory_space<vmem>> -> memref<128xi32, #tpu.memory_space<vmem>>
      %dma_wait3A_217 = arith.constant 0 : i32
      %dma_wait3A_218 = arith.constant 0 : i32
      %dma_wait3A_219 = tpu.memref_slice %arg4[%dma_wait3A_217, %dma_wait3A_218] : memref<880000x16xf32, #tpu.memory_space<hbm>> -> memref<880000x16xf32, #tpu.memory_space<hbm>>
      tpu.wait_indirect_dma semaphore(%arg15 : memref<!tpu.dma_semaphore, #tpu.memory_space<semaphore_mem>>) src(%dma_wait3A_219 : memref<880000x16xf32, #tpu.memory_space<hbm>>) dst(%dma_wait3A_214 : memref<128x16xf32, #tpu.memory_space<vmem>>)
      %dma_wait3A_220 = arith.constant 640 : i32
      %dma_wait3A_221 = arith.constant 0 : i32
      %dma_wait3A_222 = tpu.memref_slice %arg10[%dma_wait3A_220, %dma_wait3A_221] : memref<1408x16xf32, #tpu.memory_space<vmem>> -> memref<128x16xf32, #tpu.memory_space<vmem>>
      %dma_wait3A_223 = arith.constant 640 : i32
      %dma_wait3A_224 = tpu.memref_slice %arg8[%dma_wait3A_223] : memref<1408xi32, #tpu.memory_space<vmem>> -> memref<128xi32, #tpu.memory_space<vmem>>
      %dma_wait3A_225 = arith.constant 0 : i32
      %dma_wait3A_226 = arith.constant 0 : i32
      %dma_wait3A_227 = tpu.memref_slice %arg4[%dma_wait3A_225, %dma_wait3A_226] : memref<880000x16xf32, #tpu.memory_space<hbm>> -> memref<880000x16xf32, #tpu.memory_space<hbm>>
      tpu.wait_indirect_dma semaphore(%arg15 : memref<!tpu.dma_semaphore, #tpu.memory_space<semaphore_mem>>) src(%dma_wait3A_227 : memref<880000x16xf32, #tpu.memory_space<hbm>>) dst(%dma_wait3A_222 : memref<128x16xf32, #tpu.memory_space<vmem>>)
      %dma_wait3A_228 = arith.constant 768 : i32
      %dma_wait3A_229 = arith.constant 0 : i32
      %dma_wait3A_230 = tpu.memref_slice %arg10[%dma_wait3A_228, %dma_wait3A_229] : memref<1408x16xf32, #tpu.memory_space<vmem>> -> memref<128x16xf32, #tpu.memory_space<vmem>>
      %dma_wait3A_231 = arith.constant 768 : i32
      %dma_wait3A_232 = tpu.memref_slice %arg8[%dma_wait3A_231] : memref<1408xi32, #tpu.memory_space<vmem>> -> memref<128xi32, #tpu.memory_space<vmem>>
      %dma_wait3A_233 = arith.constant 0 : i32
      %dma_wait3A_234 = arith.constant 0 : i32
      %dma_wait3A_235 = tpu.memref_slice %arg4[%dma_wait3A_233, %dma_wait3A_234] : memref<880000x16xf32, #tpu.memory_space<hbm>> -> memref<880000x16xf32, #tpu.memory_space<hbm>>
      tpu.wait_indirect_dma semaphore(%arg15 : memref<!tpu.dma_semaphore, #tpu.memory_space<semaphore_mem>>) src(%dma_wait3A_235 : memref<880000x16xf32, #tpu.memory_space<hbm>>) dst(%dma_wait3A_230 : memref<128x16xf32, #tpu.memory_space<vmem>>)
      %dma_wait3A_236 = arith.constant 896 : i32
      %dma_wait3A_237 = arith.constant 0 : i32
      %dma_wait3A_238 = tpu.memref_slice %arg10[%dma_wait3A_236, %dma_wait3A_237] : memref<1408x16xf32, #tpu.memory_space<vmem>> -> memref<128x16xf32, #tpu.memory_space<vmem>>
      %dma_wait3A_239 = arith.constant 896 : i32
      %dma_wait3A_240 = tpu.memref_slice %arg8[%dma_wait3A_239] : memref<1408xi32, #tpu.memory_space<vmem>> -> memref<128xi32, #tpu.memory_space<vmem>>
      %dma_wait3A_241 = arith.constant 0 : i32
      %dma_wait3A_242 = arith.constant 0 : i32
      %dma_wait3A_243 = tpu.memref_slice %arg4[%dma_wait3A_241, %dma_wait3A_242] : memref<880000x16xf32, #tpu.memory_space<hbm>> -> memref<880000x16xf32, #tpu.memory_space<hbm>>
      tpu.wait_indirect_dma semaphore(%arg15 : memref<!tpu.dma_semaphore, #tpu.memory_space<semaphore_mem>>) src(%dma_wait3A_243 : memref<880000x16xf32, #tpu.memory_space<hbm>>) dst(%dma_wait3A_238 : memref<128x16xf32, #tpu.memory_space<vmem>>)
      %dma_wait3A_244 = arith.constant 1024 : i32
      %dma_wait3A_245 = arith.constant 0 : i32
      %dma_wait3A_246 = tpu.memref_slice %arg10[%dma_wait3A_244, %dma_wait3A_245] : memref<1408x16xf32, #tpu.memory_space<vmem>> -> memref<128x16xf32, #tpu.memory_space<vmem>>
      %dma_wait3A_247 = arith.constant 1024 : i32
      %dma_wait3A_248 = tpu.memref_slice %arg8[%dma_wait3A_247] : memref<1408xi32, #tpu.memory_space<vmem>> -> memref<128xi32, #tpu.memory_space<vmem>>
      %dma_wait3A_249 = arith.constant 0 : i32
      %dma_wait3A_250 = arith.constant 0 : i32
      %dma_wait3A_251 = tpu.memref_slice %arg4[%dma_wait3A_249, %dma_wait3A_250] : memref<880000x16xf32, #tpu.memory_space<hbm>> -> memref<880000x16xf32, #tpu.memory_space<hbm>>
      tpu.wait_indirect_dma semaphore(%arg15 : memref<!tpu.dma_semaphore, #tpu.memory_space<semaphore_mem>>) src(%dma_wait3A_251 : memref<880000x16xf32, #tpu.memory_space<hbm>>) dst(%dma_wait3A_246 : memref<128x16xf32, #tpu.memory_space<vmem>>)
      %dma_wait3A_252 = arith.constant 1152 : i32
      %dma_wait3A_253 = arith.constant 0 : i32
      %dma_wait3A_254 = tpu.memref_slice %arg10[%dma_wait3A_252, %dma_wait3A_253] : memref<1408x16xf32, #tpu.memory_space<vmem>> -> memref<128x16xf32, #tpu.memory_space<vmem>>
      %dma_wait3A_255 = arith.constant 1152 : i32
      %dma_wait3A_256 = tpu.memref_slice %arg8[%dma_wait3A_255] : memref<1408xi32, #tpu.memory_space<vmem>> -> memref<128xi32, #tpu.memory_space<vmem>>
      %dma_wait3A_257 = arith.constant 0 : i32
      %dma_wait3A_258 = arith.constant 0 : i32
      %dma_wait3A_259 = tpu.memref_slice %arg4[%dma_wait3A_257, %dma_wait3A_258] : memref<880000x16xf32, #tpu.memory_space<hbm>> -> memref<880000x16xf32, #tpu.memory_space<hbm>>
      tpu.wait_indirect_dma semaphore(%arg15 : memref<!tpu.dma_semaphore, #tpu.memory_space<semaphore_mem>>) src(%dma_wait3A_259 : memref<880000x16xf32, #tpu.memory_space<hbm>>) dst(%dma_wait3A_254 : memref<128x16xf32, #tpu.memory_space<vmem>>)
      %dma_wait3A_260 = arith.constant 1280 : i32
      %dma_wait3A_261 = arith.constant 0 : i32
      %dma_wait3A_262 = tpu.memref_slice %arg10[%dma_wait3A_260, %dma_wait3A_261] : memref<1408x16xf32, #tpu.memory_space<vmem>> -> memref<128x16xf32, #tpu.memory_space<vmem>>
      %dma_wait3A_263 = arith.constant 1280 : i32
      %dma_wait3A_264 = tpu.memref_slice %arg8[%dma_wait3A_263] : memref<1408xi32, #tpu.memory_space<vmem>> -> memref<128xi32, #tpu.memory_space<vmem>>
      %dma_wait3A_265 = arith.constant 0 : i32
      %dma_wait3A_266 = arith.constant 0 : i32
      %dma_wait3A_267 = tpu.memref_slice %arg4[%dma_wait3A_265, %dma_wait3A_266] : memref<880000x16xf32, #tpu.memory_space<hbm>> -> memref<880000x16xf32, #tpu.memory_space<hbm>>
      tpu.wait_indirect_dma semaphore(%arg15 : memref<!tpu.dma_semaphore, #tpu.memory_space<semaphore_mem>>) src(%dma_wait3A_267 : memref<880000x16xf32, #tpu.memory_space<hbm>>) dst(%dma_wait3A_262 : memref<128x16xf32, #tpu.memory_space<vmem>>)
      %dma_wait3A_268 = arith.constant 0 : i32
      %dma_wait3A_269 = tpu.memref_slice %arg11[%dma_wait3A_268] : memref<1680xf32, #tpu.memory_space<vmem>> -> memref<128xf32, #tpu.memory_space<vmem>>
      %dma_wait3A_270 = arith.constant 0 : i32
      %dma_wait3A_271 = tpu.memref_slice %arg9[%dma_wait3A_270] : memref<1664xi32, #tpu.memory_space<vmem>> -> memref<128xi32, #tpu.memory_space<vmem>>
      %dma_wait3A_272 = arith.constant 0 : i32
      %dma_wait3A_273 = tpu.memref_slice %arg5[%dma_wait3A_272] : memref<1040000xf32, #tpu.memory_space<hbm>> -> memref<1040000xf32, #tpu.memory_space<hbm>>
      tpu.wait_indirect_dma semaphore(%arg15 : memref<!tpu.dma_semaphore, #tpu.memory_space<semaphore_mem>>) src(%dma_wait3A_273 : memref<1040000xf32, #tpu.memory_space<hbm>>) dst(%dma_wait3A_269 : memref<128xf32, #tpu.memory_space<vmem>>)
      %dma_wait3A_274 = arith.constant 128 : i32
      %dma_wait3A_275 = tpu.memref_slice %arg11[%dma_wait3A_274] : memref<1680xf32, #tpu.memory_space<vmem>> -> memref<128xf32, #tpu.memory_space<vmem>>
      %dma_wait3A_276 = arith.constant 128 : i32
      %dma_wait3A_277 = tpu.memref_slice %arg9[%dma_wait3A_276] : memref<1664xi32, #tpu.memory_space<vmem>> -> memref<128xi32, #tpu.memory_space<vmem>>
      %dma_wait3A_278 = arith.constant 0 : i32
      %dma_wait3A_279 = tpu.memref_slice %arg5[%dma_wait3A_278] : memref<1040000xf32, #tpu.memory_space<hbm>> -> memref<1040000xf32, #tpu.memory_space<hbm>>
      tpu.wait_indirect_dma semaphore(%arg15 : memref<!tpu.dma_semaphore, #tpu.memory_space<semaphore_mem>>) src(%dma_wait3A_279 : memref<1040000xf32, #tpu.memory_space<hbm>>) dst(%dma_wait3A_275 : memref<128xf32, #tpu.memory_space<vmem>>)
      %dma_wait3A_280 = arith.constant 256 : i32
      %dma_wait3A_281 = tpu.memref_slice %arg11[%dma_wait3A_280] : memref<1680xf32, #tpu.memory_space<vmem>> -> memref<128xf32, #tpu.memory_space<vmem>>
      %dma_wait3A_282 = arith.constant 256 : i32
      %dma_wait3A_283 = tpu.memref_slice %arg9[%dma_wait3A_282] : memref<1664xi32, #tpu.memory_space<vmem>> -> memref<128xi32, #tpu.memory_space<vmem>>
      %dma_wait3A_284 = arith.constant 0 : i32
      %dma_wait3A_285 = tpu.memref_slice %arg5[%dma_wait3A_284] : memref<1040000xf32, #tpu.memory_space<hbm>> -> memref<1040000xf32, #tpu.memory_space<hbm>>
      tpu.wait_indirect_dma semaphore(%arg15 : memref<!tpu.dma_semaphore, #tpu.memory_space<semaphore_mem>>) src(%dma_wait3A_285 : memref<1040000xf32, #tpu.memory_space<hbm>>) dst(%dma_wait3A_281 : memref<128xf32, #tpu.memory_space<vmem>>)
      %dma_wait3A_286 = arith.constant 384 : i32
      %dma_wait3A_287 = tpu.memref_slice %arg11[%dma_wait3A_286] : memref<1680xf32, #tpu.memory_space<vmem>> -> memref<128xf32, #tpu.memory_space<vmem>>
      %dma_wait3A_288 = arith.constant 384 : i32
      %dma_wait3A_289 = tpu.memref_slice %arg9[%dma_wait3A_288] : memref<1664xi32, #tpu.memory_space<vmem>> -> memref<128xi32, #tpu.memory_space<vmem>>
      %dma_wait3A_290 = arith.constant 0 : i32
      %dma_wait3A_291 = tpu.memref_slice %arg5[%dma_wait3A_290] : memref<1040000xf32, #tpu.memory_space<hbm>> -> memref<1040000xf32, #tpu.memory_space<hbm>>
      tpu.wait_indirect_dma semaphore(%arg15 : memref<!tpu.dma_semaphore, #tpu.memory_space<semaphore_mem>>) src(%dma_wait3A_291 : memref<1040000xf32, #tpu.memory_space<hbm>>) dst(%dma_wait3A_287 : memref<128xf32, #tpu.memory_space<vmem>>)
      %dma_wait3A_292 = arith.constant 512 : i32
      %dma_wait3A_293 = tpu.memref_slice %arg11[%dma_wait3A_292] : memref<1680xf32, #tpu.memory_space<vmem>> -> memref<128xf32, #tpu.memory_space<vmem>>
      %dma_wait3A_294 = arith.constant 512 : i32
      %dma_wait3A_295 = tpu.memref_slice %arg9[%dma_wait3A_294] : memref<1664xi32, #tpu.memory_space<vmem>> -> memref<128xi32, #tpu.memory_space<vmem>>
      %dma_wait3A_296 = arith.constant 0 : i32
      %dma_wait3A_297 = tpu.memref_slice %arg5[%dma_wait3A_296] : memref<1040000xf32, #tpu.memory_space<hbm>> -> memref<1040000xf32, #tpu.memory_space<hbm>>
      tpu.wait_indirect_dma semaphore(%arg15 : memref<!tpu.dma_semaphore, #tpu.memory_space<semaphore_mem>>) src(%dma_wait3A_297 : memref<1040000xf32, #tpu.memory_space<hbm>>) dst(%dma_wait3A_293 : memref<128xf32, #tpu.memory_space<vmem>>)
      %dma_wait3A_298 = arith.constant 640 : i32
      %dma_wait3A_299 = tpu.memref_slice %arg11[%dma_wait3A_298] : memref<1680xf32, #tpu.memory_space<vmem>> -> memref<128xf32, #tpu.memory_space<vmem>>
      %dma_wait3A_300 = arith.constant 640 : i32
      %dma_wait3A_301 = tpu.memref_slice %arg9[%dma_wait3A_300] : memref<1664xi32, #tpu.memory_space<vmem>> -> memref<128xi32, #tpu.memory_space<vmem>>
      %dma_wait3A_302 = arith.constant 0 : i32
      %dma_wait3A_303 = tpu.memref_slice %arg5[%dma_wait3A_302] : memref<1040000xf32, #tpu.memory_space<hbm>> -> memref<1040000xf32, #tpu.memory_space<hbm>>
      tpu.wait_indirect_dma semaphore(%arg15 : memref<!tpu.dma_semaphore, #tpu.memory_space<semaphore_mem>>) src(%dma_wait3A_303 : memref<1040000xf32, #tpu.memory_space<hbm>>) dst(%dma_wait3A_299 : memref<128xf32, #tpu.memory_space<vmem>>)
      %dma_wait3A_304 = arith.constant 768 : i32
      %dma_wait3A_305 = tpu.memref_slice %arg11[%dma_wait3A_304] : memref<1680xf32, #tpu.memory_space<vmem>> -> memref<128xf32, #tpu.memory_space<vmem>>
      %dma_wait3A_306 = arith.constant 768 : i32
      %dma_wait3A_307 = tpu.memref_slice %arg9[%dma_wait3A_306] : memref<1664xi32, #tpu.memory_space<vmem>> -> memref<128xi32, #tpu.memory_space<vmem>>
      %dma_wait3A_308 = arith.constant 0 : i32
      %dma_wait3A_309 = tpu.memref_slice %arg5[%dma_wait3A_308] : memref<1040000xf32, #tpu.memory_space<hbm>> -> memref<1040000xf32, #tpu.memory_space<hbm>>
      tpu.wait_indirect_dma semaphore(%arg15 : memref<!tpu.dma_semaphore, #tpu.memory_space<semaphore_mem>>) src(%dma_wait3A_309 : memref<1040000xf32, #tpu.memory_space<hbm>>) dst(%dma_wait3A_305 : memref<128xf32, #tpu.memory_space<vmem>>)
      %dma_wait3A_310 = arith.constant 896 : i32
      %dma_wait3A_311 = tpu.memref_slice %arg11[%dma_wait3A_310] : memref<1680xf32, #tpu.memory_space<vmem>> -> memref<128xf32, #tpu.memory_space<vmem>>
      %dma_wait3A_312 = arith.constant 896 : i32
      %dma_wait3A_313 = tpu.memref_slice %arg9[%dma_wait3A_312] : memref<1664xi32, #tpu.memory_space<vmem>> -> memref<128xi32, #tpu.memory_space<vmem>>
      %dma_wait3A_314 = arith.constant 0 : i32
      %dma_wait3A_315 = tpu.memref_slice %arg5[%dma_wait3A_314] : memref<1040000xf32, #tpu.memory_space<hbm>> -> memref<1040000xf32, #tpu.memory_space<hbm>>
      tpu.wait_indirect_dma semaphore(%arg15 : memref<!tpu.dma_semaphore, #tpu.memory_space<semaphore_mem>>) src(%dma_wait3A_315 : memref<1040000xf32, #tpu.memory_space<hbm>>) dst(%dma_wait3A_311 : memref<128xf32, #tpu.memory_space<vmem>>)
      %dma_wait3A_316 = arith.constant 1024 : i32
      %dma_wait3A_317 = tpu.memref_slice %arg11[%dma_wait3A_316] : memref<1680xf32, #tpu.memory_space<vmem>> -> memref<128xf32, #tpu.memory_space<vmem>>
      %dma_wait3A_318 = arith.constant 1024 : i32
      %dma_wait3A_319 = tpu.memref_slice %arg9[%dma_wait3A_318] : memref<1664xi32, #tpu.memory_space<vmem>> -> memref<128xi32, #tpu.memory_space<vmem>>
      %dma_wait3A_320 = arith.constant 0 : i32
      %dma_wait3A_321 = tpu.memref_slice %arg5[%dma_wait3A_320] : memref<1040000xf32, #tpu.memory_space<hbm>> -> memref<1040000xf32, #tpu.memory_space<hbm>>
      tpu.wait_indirect_dma semaphore(%arg15 : memref<!tpu.dma_semaphore, #tpu.memory_space<semaphore_mem>>) src(%dma_wait3A_321 : memref<1040000xf32, #tpu.memory_space<hbm>>) dst(%dma_wait3A_317 : memref<128xf32, #tpu.memory_space<vmem>>)
      %dma_wait3A_322 = arith.constant 1152 : i32
      %dma_wait3A_323 = tpu.memref_slice %arg11[%dma_wait3A_322] : memref<1680xf32, #tpu.memory_space<vmem>> -> memref<128xf32, #tpu.memory_space<vmem>>
      %dma_wait3A_324 = arith.constant 1152 : i32
      %dma_wait3A_325 = tpu.memref_slice %arg9[%dma_wait3A_324] : memref<1664xi32, #tpu.memory_space<vmem>> -> memref<128xi32, #tpu.memory_space<vmem>>
      %dma_wait3A_326 = arith.constant 0 : i32
      %dma_wait3A_327 = tpu.memref_slice %arg5[%dma_wait3A_326] : memref<1040000xf32, #tpu.memory_space<hbm>> -> memref<1040000xf32, #tpu.memory_space<hbm>>
      tpu.wait_indirect_dma semaphore(%arg15 : memref<!tpu.dma_semaphore, #tpu.memory_space<semaphore_mem>>) src(%dma_wait3A_327 : memref<1040000xf32, #tpu.memory_space<hbm>>) dst(%dma_wait3A_323 : memref<128xf32, #tpu.memory_space<vmem>>)
      %dma_wait3A_328 = arith.constant 1280 : i32
      %dma_wait3A_329 = tpu.memref_slice %arg11[%dma_wait3A_328] : memref<1680xf32, #tpu.memory_space<vmem>> -> memref<128xf32, #tpu.memory_space<vmem>>
      %dma_wait3A_330 = arith.constant 1280 : i32
      %dma_wait3A_331 = tpu.memref_slice %arg9[%dma_wait3A_330] : memref<1664xi32, #tpu.memory_space<vmem>> -> memref<128xi32, #tpu.memory_space<vmem>>
      %dma_wait3A_332 = arith.constant 0 : i32
      %dma_wait3A_333 = tpu.memref_slice %arg5[%dma_wait3A_332] : memref<1040000xf32, #tpu.memory_space<hbm>> -> memref<1040000xf32, #tpu.memory_space<hbm>>
      tpu.wait_indirect_dma semaphore(%arg15 : memref<!tpu.dma_semaphore, #tpu.memory_space<semaphore_mem>>) src(%dma_wait3A_333 : memref<1040000xf32, #tpu.memory_space<hbm>>) dst(%dma_wait3A_329 : memref<128xf32, #tpu.memory_space<vmem>>)
      %dma_wait3A_334 = arith.constant 1408 : i32
      %dma_wait3A_335 = tpu.memref_slice %arg11[%dma_wait3A_334] : memref<1680xf32, #tpu.memory_space<vmem>> -> memref<128xf32, #tpu.memory_space<vmem>>
      %dma_wait3A_336 = arith.constant 1408 : i32
      %dma_wait3A_337 = tpu.memref_slice %arg9[%dma_wait3A_336] : memref<1664xi32, #tpu.memory_space<vmem>> -> memref<128xi32, #tpu.memory_space<vmem>>
      %dma_wait3A_338 = arith.constant 0 : i32
      %dma_wait3A_339 = tpu.memref_slice %arg5[%dma_wait3A_338] : memref<1040000xf32, #tpu.memory_space<hbm>> -> memref<1040000xf32, #tpu.memory_space<hbm>>
      tpu.wait_indirect_dma semaphore(%arg15 : memref<!tpu.dma_semaphore, #tpu.memory_space<semaphore_mem>>) src(%dma_wait3A_339 : memref<1040000xf32, #tpu.memory_space<hbm>>) dst(%dma_wait3A_335 : memref<128xf32, #tpu.memory_space<vmem>>)
      %dma_wait3A_340 = arith.constant 1536 : i32
      %dma_wait3A_341 = tpu.memref_slice %arg11[%dma_wait3A_340] : memref<1680xf32, #tpu.memory_space<vmem>> -> memref<128xf32, #tpu.memory_space<vmem>>
      %dma_wait3A_342 = arith.constant 1536 : i32
      %dma_wait3A_343 = tpu.memref_slice %arg9[%dma_wait3A_342] : memref<1664xi32, #tpu.memory_space<vmem>> -> memref<128xi32, #tpu.memory_space<vmem>>
      %dma_wait3A_344 = arith.constant 0 : i32
      %dma_wait3A_345 = tpu.memref_slice %arg5[%dma_wait3A_344] : memref<1040000xf32, #tpu.memory_space<hbm>> -> memref<1040000xf32, #tpu.memory_space<hbm>>
      tpu.wait_indirect_dma semaphore(%arg15 : memref<!tpu.dma_semaphore, #tpu.memory_space<semaphore_mem>>) src(%dma_wait3A_345 : memref<1040000xf32, #tpu.memory_space<hbm>>) dst(%dma_wait3A_341 : memref<128xf32, #tpu.memory_space<vmem>>)
      %get3A = arith.constant 0 : index
      %get3A_346 = tpu.vector_load %arg14[%get3A] {strides = array<i32>} : memref<16xf32, #tpu.memory_space<vmem>>, vector<16xf32>,
      %scan3A_347 = arith.constant 0 : i32
      %scan3A_348 = arith.constant 0 : i32
      %scan3A_349 = arith.constant 4 : i32
      %scan3A_350 = arith.addi %scan3A_348, %scan3A_349 : i32
      %scan3A_351 = arith.constant 1 : i32
      scf.for %scan3A_355 = %scan3A_348 to %scan3A_350 step %scan3A_351  : i32 {
        %scan3A_356 = arith.constant 0 : i32
        %scan3A_357 = arith.constant 0 : i32
        %scan3A_358 = arith.constant 16 : i32
        %scan3A_359 = arith.addi %scan3A_357, %scan3A_358 : i32
        %scan3A_360 = arith.constant 1 : i32
        scf.for %scan3A_419 = %scan3A_357 to %scan3A_359 step %scan3A_360  : i32 {
          %mul3A_420 = arith.constant 16 : i32
          %mul3A_421 = arith.muli %scan3A_355, %mul3A_420 : i32
          %add3A_422 = arith.addi %mul3A_421, %scan3A_419 : i32
          %mul3A_423 = arith.constant 22 : i32
          %mul3A_424 = arith.muli %add3A_422, %mul3A_423 : i32
          %add3A_425 = arith.constant 0 : i32
          %add3A_426 = arith.addi %mul3A_424, %add3A_425 : i32
          %get3A_427 = arith.index_cast %add3A_426 : i32 to index
          %get3A_428 = arith.constant 0 : index
          %get3A_429 = tpu.vector_load %arg10[%get3A_427, %get3A_428] {strides = array<i32>} : memref<1408x16xf32, #tpu.memory_space<vmem>>, vector<16xf32>,
          %add3A_430 = arith.constant 1 : i32
          %add3A_431 = arith.addi %mul3A_424, %add3A_430 : i32
          %get3A_432 = arith.index_cast %add3A_431 : i32 to index
          %get3A_433 = arith.constant 0 : index
          %get3A_434 = tpu.vector_load %arg10[%get3A_432, %get3A_433] {strides = array<i32>} : memref<1408x16xf32, #tpu.memory_space<vmem>>, vector<16xf32>,
          %add3A_435 = arith.constant 2 : i32
          %add3A_436 = arith.addi %mul3A_424, %add3A_435 : i32
          %get3A_437 = arith.index_cast %add3A_436 : i32 to index
          %get3A_438 = arith.constant 0 : index
          %get3A_439 = tpu.vector_load %arg10[%get3A_437, %get3A_438] {strides = array<i32>} : memref<1408x16xf32, #tpu.memory_space<vmem>>, vector<16xf32>,
          %add3A_440 = arith.constant 3 : i32
          %add3A_441 = arith.addi %mul3A_424, %add3A_440 : i32
          %get3A_442 = arith.index_cast %add3A_441 : i32 to index
          %get3A_443 = arith.constant 0 : index
          %get3A_444 = tpu.vector_load %arg10[%get3A_442, %get3A_443] {strides = array<i32>} : memref<1408x16xf32, #tpu.memory_space<vmem>>, vector<16xf32>,
          %add3A_445 = arith.constant 4 : i32
          %add3A_446 = arith.addi %mul3A_424, %add3A_445 : i32
          %get3A_447 = arith.index_cast %add3A_446 : i32 to index
          %get3A_448 = arith.constant 0 : index
          %get3A_449 = tpu.vector_load %arg10[%get3A_447, %get3A_448] {strides = array<i32>} : memref<1408x16xf32, #tpu.memory_space<vmem>>, vector<16xf32>,
          %add3A_450 = arith.constant 5 : i32
          %add3A_451 = arith.addi %mul3A_424, %add3A_450 : i32
          %get3A_452 = arith.index_cast %add3A_451 : i32 to index
          %get3A_453 = arith.constant 0 : index
          %get3A_454 = tpu.vector_load %arg10[%get3A_452, %get3A_453] {strides = array<i32>} : memref<1408x16xf32, #tpu.memory_space<vmem>>, vector<16xf32>,
          %add3A_455 = arith.constant 6 : i32
          %add3A_456 = arith.addi %mul3A_424, %add3A_455 : i32
          %get3A_457 = arith.index_cast %add3A_456 : i32 to index
          %get3A_458 = arith.constant 0 : index
          %get3A_459 = tpu.vector_load %arg10[%get3A_457, %get3A_458] {strides = array<i32>} : memref<1408x16xf32, #tpu.memory_space<vmem>>, vector<16xf32>,
          %add3A_460 = arith.constant 7 : i32
          %add3A_461 = arith.addi %mul3A_424, %add3A_460 : i32
          %get3A_462 = arith.index_cast %add3A_461 : i32 to index
          %get3A_463 = arith.constant 0 : index
          %get3A_464 = tpu.vector_load %arg10[%get3A_462, %get3A_463] {strides = array<i32>} : memref<1408x16xf32, #tpu.memory_space<vmem>>, vector<16xf32>,
          %add3A_465 = arith.constant 8 : i32
          %add3A_466 = arith.addi %mul3A_424, %add3A_465 : i32
          %get3A_467 = arith.index_cast %add3A_466 : i32 to index
          %get3A_468 = arith.constant 0 : index
          %get3A_469 = tpu.vector_load %arg10[%get3A_467, %get3A_468] {strides = array<i32>} : memref<1408x16xf32, #tpu.memory_space<vmem>>, vector<16xf32>,
          %add3A_470 = arith.constant 9 : i32
          %add3A_471 = arith.addi %mul3A_424, %add3A_470 : i32
          %get3A_472 = arith.index_cast %add3A_471 : i32 to index
          %get3A_473 = arith.constant 0 : index
          %get3A_474 = tpu.vector_load %arg10[%get3A_472, %get3A_473] {strides = array<i32>} : memref<1408x16xf32, #tpu.memory_space<vmem>>, vector<16xf32>,
          %add3A_475 = arith.constant 10 : i32
          %add3A_476 = arith.addi %mul3A_424, %add3A_475 : i32
          %get3A_477 = arith.index_cast %add3A_476 : i32 to index
          %get3A_478 = arith.constant 0 : index
          %get3A_479 = tpu.vector_load %arg10[%get3A_477, %get3A_478] {strides = array<i32>} : memref<1408x16xf32, #tpu.memory_space<vmem>>, vector<16xf32>,
          %add3A_480 = arith.constant 11 : i32
          %add3A_481 = arith.addi %mul3A_424, %add3A_480 : i32
          %get3A_482 = arith.index_cast %add3A_481 : i32 to index
          %get3A_483 = arith.constant 0 : index
          %get3A_484 = tpu.vector_load %arg10[%get3A_482, %get3A_483] {strides = array<i32>} : memref<1408x16xf32, #tpu.memory_space<vmem>>, vector<16xf32>,
          %add3A_485 = arith.constant 12 : i32
          %add3A_486 = arith.addi %mul3A_424, %add3A_485 : i32
          %get3A_487 = arith.index_cast %add3A_486 : i32 to index
          %get3A_488 = arith.constant 0 : index
          %get3A_489 = tpu.vector_load %arg10[%get3A_487, %get3A_488] {strides = array<i32>} : memref<1408x16xf32, #tpu.memory_space<vmem>>, vector<16xf32>,
          %add3A_490 = arith.constant 13 : i32
          %add3A_491 = arith.addi %mul3A_424, %add3A_490 : i32
          %get3A_492 = arith.index_cast %add3A_491 : i32 to index
          %get3A_493 = arith.constant 0 : index
          %get3A_494 = tpu.vector_load %arg10[%get3A_492, %get3A_493] {strides = array<i32>} : memref<1408x16xf32, #tpu.memory_space<vmem>>, vector<16xf32>,
          %add3A_495 = arith.constant 14 : i32
          %add3A_496 = arith.addi %mul3A_424, %add3A_495 : i32
          %get3A_497 = arith.index_cast %add3A_496 : i32 to index
          %get3A_498 = arith.constant 0 : index
          %get3A_499 = tpu.vector_load %arg10[%get3A_497, %get3A_498] {strides = array<i32>} : memref<1408x16xf32, #tpu.memory_space<vmem>>, vector<16xf32>,
          %add3A_500 = arith.constant 15 : i32
          %add3A_501 = arith.addi %mul3A_424, %add3A_500 : i32
          %get3A_502 = arith.index_cast %add3A_501 : i32 to index
          %get3A_503 = arith.constant 0 : index
          %get3A_504 = tpu.vector_load %arg10[%get3A_502, %get3A_503] {strides = array<i32>} : memref<1408x16xf32, #tpu.memory_space<vmem>>, vector<16xf32>,
          %add3A_505 = arith.constant 16 : i32
          %add3A_506 = arith.addi %mul3A_424, %add3A_505 : i32
          %get3A_507 = arith.index_cast %add3A_506 : i32 to index
          %get3A_508 = arith.constant 0 : index
          %get3A_509 = tpu.vector_load %arg10[%get3A_507, %get3A_508] {strides = array<i32>} : memref<1408x16xf32, #tpu.memory_space<vmem>>, vector<16xf32>,
          %add3A_510 = arith.constant 17 : i32
          %add3A_511 = arith.addi %mul3A_424, %add3A_510 : i32
          %get3A_512 = arith.index_cast %add3A_511 : i32 to index
          %get3A_513 = arith.constant 0 : index
          %get3A_514 = tpu.vector_load %arg10[%get3A_512, %get3A_513] {strides = array<i32>} : memref<1408x16xf32, #tpu.memory_space<vmem>>, vector<16xf32>,
          %add3A_515 = arith.constant 18 : i32
          %add3A_516 = arith.addi %mul3A_424, %add3A_515 : i32
          %get3A_517 = arith.index_cast %add3A_516 : i32 to index
          %get3A_518 = arith.constant 0 : index
          %get3A_519 = tpu.vector_load %arg10[%get3A_517, %get3A_518] {strides = array<i32>} : memref<1408x16xf32, #tpu.memory_space<vmem>>, vector<16xf32>,
          %add3A_520 = arith.constant 19 : i32
          %add3A_521 = arith.addi %mul3A_424, %add3A_520 : i32
          %get3A_522 = arith.index_cast %add3A_521 : i32 to index
          %get3A_523 = arith.constant 0 : index
          %get3A_524 = tpu.vector_load %arg10[%get3A_522, %get3A_523] {strides = array<i32>} : memref<1408x16xf32, #tpu.memory_space<vmem>>, vector<16xf32>,
          %add3A_525 = arith.constant 20 : i32
          %add3A_526 = arith.addi %mul3A_424, %add3A_525 : i32
          %get3A_527 = arith.index_cast %add3A_526 : i32 to index
          %get3A_528 = arith.constant 0 : index
          %get3A_529 = tpu.vector_load %arg10[%get3A_527, %get3A_528] {strides = array<i32>} : memref<1408x16xf32, #tpu.memory_space<vmem>>, vector<16xf32>,
          %add3A_530 = arith.constant 21 : i32
          %add3A_531 = arith.addi %mul3A_424, %add3A_530 : i32
          %get3A_532 = arith.index_cast %add3A_531 : i32 to index
          %get3A_533 = arith.constant 0 : index
          %get3A_534 = tpu.vector_load %arg10[%get3A_532, %get3A_533] {strides = array<i32>} : memref<1408x16xf32, #tpu.memory_space<vmem>>, vector<16xf32>,
          %add3A_535 = arith.addf %get3A_449, %get3A_454 : vector<16xf32>
          %add3A_536 = arith.addf %add3A_535, %get3A_459 : vector<16xf32>
          %add3A_537 = arith.addf %add3A_536, %get3A_464 : vector<16xf32>
          %add3A_538 = arith.addf %add3A_537, %get3A_469 : vector<16xf32>
          %add3A_539 = arith.addf %add3A_538, %get3A_474 : vector<16xf32>
          %add3A_540 = arith.addf %add3A_539, %get3A_479 : vector<16xf32>
          %mul3A_541 = arith.mulf %get3A_444, %add3A_540 : vector<16xf32>
          %add3A_542 = arith.addf %add3A_540, %get3A_484 : vector<16xf32>
          %add3A_543 = arith.addf %add3A_542, %get3A_489 : vector<16xf32>
          %add3A_544 = arith.addf %add3A_543, %get3A_444 : vector<16xf32>
          %mul3A_545 = arith.mulf %get3A_439, %add3A_544 : vector<16xf32>
          %add3A_546 = arith.addf %mul3A_541, %mul3A_545 : vector<16xf32>
          %add3A_547 = arith.addf %add3A_544, %get3A_439 : vector<16xf32>
          %mul3A_548 = arith.mulf %get3A_434, %add3A_547 : vector<16xf32>
          %add3A_549 = arith.addf %add3A_546, %mul3A_548 : vector<16xf32>
          %add3A_550 = arith.addf %add3A_547, %get3A_434 : vector<16xf32>
          %mul3A_551 = arith.mulf %get3A_429, %add3A_550 : vector<16xf32>
          %add3A_552 = arith.addf %add3A_549, %mul3A_551 : vector<16xf32>
          %mul3A_553 = arith.mulf %get3A_434, %get3A_439 : vector<16xf32>
          %mul3A_554 = arith.mulf %get3A_429, %mul3A_553 : vector<16xf32>
          %add3A_555 = arith.addf %add3A_552, %mul3A_554 : vector<16xf32>
          %mul3A_556 = arith.mulf %get3A_439, %get3A_444 : vector<16xf32>
          %mul3A_557 = arith.mulf %get3A_434, %mul3A_556 : vector<16xf32>
          %add3A_558 = arith.addf %add3A_555, %mul3A_557 : vector<16xf32>
          %mul3A_559 = arith.mulf %get3A_444, %get3A_449 : vector<16xf32>
          %mul3A_560 = arith.mulf %get3A_439, %mul3A_559 : vector<16xf32>
          %add3A_561 = arith.addf %add3A_558, %mul3A_560 : vector<16xf32>
          %mul3A_562 = arith.mulf %get3A_449, %get3A_454 : vector<16xf32>
          %mul3A_563 = arith.mulf %get3A_444, %mul3A_562 : vector<16xf32>
          %add3A_564 = arith.addf %add3A_561, %mul3A_563 : vector<16xf32>
          %mul3A_565 = arith.mulf %get3A_454, %get3A_459 : vector<16xf32>
          %mul3A_566 = arith.mulf %get3A_449, %mul3A_565 : vector<16xf32>
          %add3A_567 = arith.addf %add3A_564, %mul3A_566 : vector<16xf32>
          %mul3A_568 = arith.mulf %get3A_459, %get3A_464 : vector<16xf32>
          %mul3A_569 = arith.mulf %get3A_454, %mul3A_568 : vector<16xf32>
          %add3A_570 = arith.addf %add3A_567, %mul3A_569 : vector<16xf32>
          %mul3A_571 = arith.mulf %get3A_464, %get3A_469 : vector<16xf32>
          %mul3A_572 = arith.mulf %get3A_459, %mul3A_571 : vector<16xf32>
          %add3A_573 = arith.addf %add3A_570, %mul3A_572 : vector<16xf32>
          %mul3A_574 = arith.mulf %get3A_469, %get3A_474 : vector<16xf32>
          %mul3A_575 = arith.mulf %get3A_464, %mul3A_574 : vector<16xf32>
          %add3A_576 = arith.addf %add3A_573, %mul3A_575 : vector<16xf32>
          %mul3A_577 = arith.mulf %get3A_474, %get3A_479 : vector<16xf32>
          %mul3A_578 = arith.mulf %get3A_469, %mul3A_577 : vector<16xf32>
          %add3A_579 = arith.addf %add3A_576, %mul3A_578 : vector<16xf32>
          %mul3A_580 = arith.mulf %get3A_479, %get3A_484 : vector<16xf32>
          %mul3A_581 = arith.mulf %get3A_474, %mul3A_580 : vector<16xf32>
          %add3A_582 = arith.addf %add3A_579, %mul3A_581 : vector<16xf32>
          %mul3A_583 = arith.mulf %get3A_484, %get3A_489 : vector<16xf32>
          %mul3A_584 = arith.mulf %get3A_479, %mul3A_583 : vector<16xf32>
          %add3A_585 = arith.addf %add3A_582, %mul3A_584 : vector<16xf32>
          %mul3A_586 = arith.mulf %get3A_489, %get3A_494 : vector<16xf32>
          %mul3A_587 = arith.mulf %get3A_484, %mul3A_586 : vector<16xf32>
          %add3A_588 = arith.addf %add3A_585, %mul3A_587 : vector<16xf32>
          %mul3A_589 = arith.mulf %get3A_494, %get3A_499 : vector<16xf32>
          %mul3A_590 = arith.mulf %get3A_489, %mul3A_589 : vector<16xf32>
          %add3A_591 = arith.addf %add3A_588, %mul3A_590 : vector<16xf32>
          %mul3A_592 = arith.mulf %get3A_499, %get3A_504 : vector<16xf32>
          %mul3A_593 = arith.mulf %get3A_494, %mul3A_592 : vector<16xf32>
          %add3A_594 = arith.addf %add3A_591, %mul3A_593 : vector<16xf32>
          %mul3A_595 = arith.mulf %get3A_504, %get3A_509 : vector<16xf32>
          %mul3A_596 = arith.mulf %get3A_499, %mul3A_595 : vector<16xf32>
          %add3A_597 = arith.addf %add3A_594, %mul3A_596 : vector<16xf32>
          %mul3A_598 = arith.mulf %get3A_509, %get3A_514 : vector<16xf32>
          %mul3A_599 = arith.mulf %get3A_504, %mul3A_598 : vector<16xf32>
          %add3A_600 = arith.addf %add3A_597, %mul3A_599 : vector<16xf32>
          %mul3A_601 = arith.mulf %get3A_514, %get3A_519 : vector<16xf32>
          %mul3A_602 = arith.mulf %get3A_509, %mul3A_601 : vector<16xf32>
          %add3A_603 = arith.addf %add3A_600, %mul3A_602 : vector<16xf32>
          %mul3A_604 = arith.mulf %get3A_519, %get3A_524 : vector<16xf32>
          %mul3A_605 = arith.mulf %get3A_514, %mul3A_604 : vector<16xf32>
          %add3A_606 = arith.addf %add3A_603, %mul3A_605 : vector<16xf32>
          %mul3A_607 = arith.mulf %get3A_524, %get3A_529 : vector<16xf32>
          %mul3A_608 = arith.mulf %get3A_519, %mul3A_607 : vector<16xf32>
          %add3A_609 = arith.addf %add3A_606, %mul3A_608 : vector<16xf32>
          %mul3A_610 = arith.mulf %get3A_529, %get3A_534 : vector<16xf32>
          %mul3A_611 = arith.mulf %get3A_524, %mul3A_610 : vector<16xf32>
          %add3A_612 = arith.addf %add3A_609, %mul3A_611 : vector<16xf32>
          %mul3A_613 = arith.constant 26 : i32
          %mul3A_614 = arith.muli %add3A_422, %mul3A_613 : i32
          %get3A_615 = arith.index_cast %mul3A_614 : i32 to index
          %get3A_616 = tpu.vector_load %arg11[%get3A_615] {strides = array<i32>} : memref<1680xf32, #tpu.memory_space<vmem>>, vector<16xf32>,
          %add3A_617 = arith.constant 16 : i32
          %add3A_618 = arith.addi %mul3A_614, %add3A_617 : i32
          %get3A_619 = arith.index_cast %add3A_618 : i32 to index
          %get3A_620 = tpu.vector_load %arg11[%get3A_619] {strides = array<i32>} : memref<1680xf32, #tpu.memory_space<vmem>>, vector<16xf32>,
          %jit3A = arith.constant 0.000000e+00 : f32
          %broadcast_in_dim3A = vector.broadcast %jit3A : f32 to vector<16xf32>
          %select_n3A = arith.select %lt3A_2, %get3A_620, %broadcast_in_dim3A : vector<16xi1>, vector<16xf32>
          %add3A_621 = arith.addf %add3A_612, %get3A_616 : vector<16xf32>
          %add3A_622 = arith.addf %add3A_621, %select_n3A : vector<16xf32>
          %add3A_623 = arith.addf %add3A_622, %get3A_346 : vector<16xf32>
          %mul3A_624 = arith.constant 16 : i32
          %mul3A_625 = vector.broadcast %mul3A_624 : i32 to vector<16xi32>
          %mul3A_626 = arith.muli %iota3A, %mul3A_625 : vector<16xi32>
          %add3A_627 = vector.broadcast %scan3A_419 : i32 to vector<16xi32>
          %add3A_628 = arith.addi %mul3A_626, %add3A_627 : vector<16xi32>
          tpu.vector_store_idx %arg12[%add3A_628], %add3A_623 : memref<256xf32, #tpu.memory_space<vmem>>[vector<16xi32>], vector<16xf32>,
        }
        %scan3A_361 = arith.constant 16 : i32
        %get3A_362 = arith.constant 0 : index
        %get3A_363 = tpu.vector_load %arg12[%get3A_362] {strides = array<i32>} : memref<256xf32, #tpu.memory_space<vmem>>, vector<16xf32>,
        %get3A_364 = arith.constant 16 : index
        %get3A_365 = tpu.vector_load %arg12[%get3A_364] {strides = array<i32>} : memref<256xf32, #tpu.memory_space<vmem>>, vector<16xf32>,
        %add3A_366 = arith.addf %get3A_363, %get3A_365 : vector<16xf32>
        %get3A_367 = arith.constant 32 : index
        %get3A_368 = tpu.vector_load %arg12[%get3A_367] {strides = array<i32>} : memref<256xf32, #tpu.memory_space<vmem>>, vector<16xf32>,
        %add3A_369 = arith.addf %add3A_366, %get3A_368 : vector<16xf32>
        %get3A_370 = arith.constant 48 : index
        %get3A_371 = tpu.vector_load %arg12[%get3A_370] {strides = array<i32>} : memref<256xf32, #tpu.memory_space<vmem>>, vector<16xf32>,
        %add3A_372 = arith.addf %add3A_369, %get3A_371 : vector<16xf32>
        %get3A_373 = arith.constant 64 : index
        %get3A_374 = tpu.vector_load %arg12[%get3A_373] {strides = array<i32>} : memref<256xf32, #tpu.memory_space<vmem>>, vector<16xf32>,
        %add3A_375 = arith.addf %add3A_372, %get3A_374 : vector<16xf32>
        %get3A_376 = arith.constant 80 : index
        %get3A_377 = tpu.vector_load %arg12[%get3A_376] {strides = array<i32>} : memref<256xf32, #tpu.memory_space<vmem>>, vector<16xf32>,
        %add3A_378 = arith.addf %add3A_375, %get3A_377 : vector<16xf32>
        %get3A_379 = arith.constant 96 : index
        %get3A_380 = tpu.vector_load %arg12[%get3A_379] {strides = array<i32>} : memref<256xf32, #tpu.memory_space<vmem>>, vector<16xf32>,
        %add3A_381 = arith.addf %add3A_378, %get3A_380 : vector<16xf32>
        %get3A_382 = arith.constant 112 : index
        %get3A_383 = tpu.vector_load %arg12[%get3A_382] {strides = array<i32>} : memref<256xf32, #tpu.memory_space<vmem>>, vector<16xf32>,
        %add3A_384 = arith.addf %add3A_381, %get3A_383 : vector<16xf32>
        %get3A_385 = arith.constant 128 : index
        %get3A_386 = tpu.vector_load %arg12[%get3A_385] {strides = array<i32>} : memref<256xf32, #tpu.memory_space<vmem>>, vector<16xf32>,
        %add3A_387 = arith.addf %add3A_384, %get3A_386 : vector<16xf32>
        %get3A_388 = arith.constant 144 : index
        %get3A_389 = tpu.vector_load %arg12[%get3A_388] {strides = array<i32>} : memref<256xf32, #tpu.memory_space<vmem>>, vector<16xf32>,
        %add3A_390 = arith.addf %add3A_387, %get3A_389 : vector<16xf32>
        %get3A_391 = arith.constant 160 : index
        %get3A_392 = tpu.vector_load %arg12[%get3A_391] {strides = array<i32>} : memref<256xf32, #tpu.memory_space<vmem>>, vector<16xf32>,
        %add3A_393 = arith.addf %add3A_390, %get3A_392 : vector<16xf32>
        %get3A_394 = arith.constant 176 : index
        %get3A_395 = tpu.vector_load %arg12[%get3A_394] {strides = array<i32>} : memref<256xf32, #tpu.memory_space<vmem>>, vector<16xf32>,
        %add3A_396 = arith.addf %add3A_393, %get3A_395 : vector<16xf32>
        %get3A_397 = arith.constant 192 : index
        %get3A_398 = tpu.vector_load %arg12[%get3A_397] {strides = array<i32>} : memref<256xf32, #tpu.memory_space<vmem>>, vector<16xf32>,
        %add3A_399 = arith.addf %add3A_396, %get3A_398 : vector<16xf32>
        %get3A_400 = arith.constant 208 : index
        %get3A_401 = tpu.vector_load %arg12[%get3A_400] {strides = array<i32>} : memref<256xf32, #tpu.memory_space<vmem>>, vector<16xf32>,
        %add3A_402 = arith.addf %add3A_399, %get3A_401 : vector<16xf32>
        %get3A_403 = arith.constant 224 : index
        %get3A_404 = tpu.vector_load %arg12[%get3A_403] {strides = array<i32>} : memref<256xf32, #tpu.memory_space<vmem>>, vector<16xf32>,
        %add3A_405 = arith.addf %add3A_402, %get3A_404 : vector<16xf32>
        %get3A_406 = arith.constant 240 : index
        %get3A_407 = tpu.vector_load %arg12[%get3A_406] {strides = array<i32>} : memref<256xf32, #tpu.memory_space<vmem>>, vector<16xf32>,
        %add3A_408 = arith.addf %add3A_405, %get3A_407 : vector<16xf32>
        %neg3A = arith.constant 0.000000e+00 : f32
        %neg3A_409 = vector.broadcast %neg3A : f32 to vector<16xf32>
        %neg3A_410 = arith.subf %neg3A_409, %add3A_408 : vector<16xf32>
        %exp3A = math.exp %neg3A_410 : vector<16xf32>
        %add3A_411 = arith.constant 1.000000e+00 : f32
        %add3A_412 = vector.broadcast %add3A_411 : f32 to vector<16xf32>
        %add3A_413 = arith.addf %add3A_412, %exp3A : vector<16xf32>
        %div3A = arith.constant 1.000000e+00 : f32
        %div3A_414 = vector.broadcast %div3A : f32 to vector<16xf32>
        %div3A_415 = arith.divf %div3A_414, %add3A_413 : vector<16xf32>
        %mul3A_416 = arith.constant 16 : i32
        %mul3A_417 = arith.muli %scan3A_355, %mul3A_416 : i32
        %swap3A = arith.index_cast %mul3A_417 : i32 to index
        %swap3A_418 = tpu.vector_load %arg13[%swap3A] {strides = array<i32>} : memref<64xf32, #tpu.memory_space<vmem>>, vector<16xf32>,
        tpu.vector_store %arg13[%swap3A], %div3A_415 {strides = array<i32>} : memref<64xf32, #tpu.memory_space<vmem>>, vector<16xf32>,
      }
      %scan3A_352 = arith.constant 4 : i32
      %mul3A_353 = arith.constant 64 : i32
      %mul3A_354 = arith.muli %add3A_11, %mul3A_353 : i32
      "tpu.region"() ({
        %run_scoped3A = tpu.sem_alloc : memref<!tpu.dma_semaphore, #tpu.memory_space<semaphore_mem>>
        %dma_start3A_355 = tpu.memref_slice %arg7[%mul3A_354] : memref<16384xf32, #tpu.memory_space<hbm>> -> memref<64xf32, #tpu.memory_space<hbm>>
        %dma_start3A_356 = tpu.memref_slice %arg7[%mul3A_354] : memref<16384xf32, #tpu.memory_space<hbm>> -> memref<64xf32, #tpu.memory_space<hbm>>
        tpu.enqueue_dma source(%arg13 : memref<64xf32, #tpu.memory_space<vmem>>) target(%dma_start3A_356 : memref<64xf32, #tpu.memory_space<hbm>>) target_semaphore(%run_scoped3A : memref<!tpu.dma_semaphore, #tpu.memory_space<semaphore_mem>>)
        %dma_wait3A_357 = tpu.memref_slice %arg7[%mul3A_354] : memref<16384xf32, #tpu.memory_space<hbm>> -> memref<64xf32, #tpu.memory_space<hbm>>
        %dma_wait3A_358 = tpu.memref_slice %arg7[%mul3A_354] : memref<16384xf32, #tpu.memory_space<hbm>> -> memref<64xf32, #tpu.memory_space<hbm>>
        tpu.wait_dma2 semaphore(%run_scoped3A : memref<!tpu.dma_semaphore, #tpu.memory_space<semaphore_mem>>) src(%arg13 : memref<64xf32, #tpu.memory_space<vmem>>) dst(%dma_wait3A_358 : memref<64xf32, #tpu.memory_space<hbm>>)
        tpu.yield
      }) : () -> ()
    }
    %scan3A_7 = arith.constant 8 : i32
    return
  }
}

</mosaic_0001>

<sc_bundles>
// kernel: kernel.3.cloned.1.call-start
scs
__scs_entry_jumppad:
0x0: {  	(pc) =	sbr.rel $0x88, $3  }
0x1: {  	(tag) =	ssettag $0x0;
	lr =	simm.s32 $0x1  }
0x2: {  	[smem:$0x3F9D] =	sst lr;
	_ =	strace $0xD0000000  }
0x3: {  	_ = 	snop  }
0x4: {  	_ = 	snop  }
0x5: {  	_ = 	snop  }
0x6: {  	_ = 	snop  }
0x7: {  	_ = 	snop  }
__scs_overlays_trampoline_lowered:
0x8: {  	[smem:$0x3FAC] =	sst s0  }
0x9: {  	[smem:$0x3FAD] =	sst s1  }
0xa: {  	[smem:$0x3FAE] =	sst s2  }
0xb: {  	[smem:$0x3FAF] =	sst s3  }
0xc: {  	[smem:$0x3FB0] =	sst s4  }
0xd: {  	[smem:$0x3FB1] =	sst s5  }
0xe: {  	[smem:$0x3FB2] =	sst s6  }
0xf: {  	[smem:$0x3FB3] =	sst s7  }
0x10: {  	[smem:$0x3FB4] =	sst s8  }
0x11: {  	[smem:$0x3FB5] =	sst s9;
	s0 =	simm.s32 @!p0 $0x0  }
0x12: {  	s1 =	sld [smem:$0x3F9B];
	s0 =	simm.s32 @p0 $0x1  }
0x13: {  	[smem:$0x3FB6] =	sst s0;
	s0 =	simm.s32 @!p1 $0x0  }
0x14: {  	s2 =	sld [smem:$0x3F9A];
	s0 =	simm.s32 @p1 $0x1  }
0x15: {  	[smem:$0x3FB7] =	sst s0;
	s0 =	simm.s32 @!p2 $0x0  }
0x16: {  	s3 =	sld [smem:$0x3FDB];
	s0 =	simm.s32 @p2 $0x1  }
0x17: {  	s4 =	simm.s32 $0x1BF5;
	[smem:$0x3FB9] =	sst s0  }
0x18: {  	s0 =	sld [smem:$0x3F9C];
	_ =	swait.ge [sflag:s4], $0x0  }
0x19: {  	s7 =	sld [smem:$0x3F9D]  }
0x1a: {  	s8 =	sadd.s32 $0xFFFFE003, lr  }
0x1b: {  	s9 =	sadd.s32 $0xFFFFFEF7, lr;
	s5 =	simm.s32 $0xFFFFFFFF;
	p2 =	slt.u32 s8, $0xFFFFF086  }
0x1c: {  	p1 =	slt.u32 s9, $0xF7A;
	s5 =	simm.s32 @!p2 $0x0  }
0x1d: {  	s5 =	simm.s32 @p1 $0x1;
	p0 =	seq.s32 s7, s2  }
0x1e: {  	s7 =	smul.u32 @!p0 $0xF7A, s2;
	p2 =	seq.s32 @!p0 s5, $0x0  }
0x1f: {  	s9 =	smul.u32 $0xF7A, s1;
	s8 =	simm.s32 @!p0 $0x1BF5;
	p2 =	por !p2, p0  }
0x20: {  	[sflag:s8] =	ssyncset.s32 @!p0 $0xFFFFF086;
	s6 =	sadd.s32 @!p0 s3, s7;
	s7 =	simm.s32 @!p0 $0x108  }
0x21: {  	s3 =	sadd.s32 s3, s9;
	s6 =	sadd.s32 @!p0 $0x88, s6;
	s7 =	simm.s32 @p2 $0x1082  }
0x22: {  	[simem:s7], [sflag:s8] =	dma.local @!p0 [hbm:s6], $0xF7A  }
0x23: {  	s9 =	sor.u32 $0xD0000000, s2;
	s6 =	simm.s32 $0x108;
	_ =	swait.ge @!p0 [sflag:s8], $0x0  }
0x24: {  	s3 =	sadd.s32 $0x88, s3;
	s6 =	simm.s32 @!p1 $0x1082;
	[sflag:s4] =	ssyncset.s32 $0xFFFFF086  }
0x25: {  	[simem:s6], [sflag:s4] =	dma.local [hbm:s3], $0xF7A  }
0x26: {  	[smem:$0x3F9D] =	sst s1;
	(tag) =	ssettag s2;
	_ =	strace s9  }
0x27: {  	s1 =	sld [smem:$0x3FAD]  }
0x28: {  	s2 =	sld [smem:$0x3FAE]  }
0x29: {  	s4 =	sld [smem:$0x3FB0]  }
0x2a: {  	p0 =	seq.s32 s5, $0x0;
	s5 =	sld [smem:$0x3FB1]  }
0x2b: {  	s6 =	sld [smem:$0x3FB2]  }
0x2c: {  	s7 =	sld [smem:$0x3FB3]  }
0x2d: {  	s3 =	simm.s32 $0x108;
	s8 =	sld [smem:$0x3FB4]  }
0x2e: {  	s3 =	simm.s32 @!p0 $0x1082;
	s9 =	sld [smem:$0x3FB5]  }
0x2f: {  	lr =	sadd.s32 s0, s3;
	s0 =	sld [smem:$0x3FAC]  }
0x30: {  	s3 =	sld [smem:$0x3FAF]  }
0x31: {  	[smem:$0x3FB8] =	sst s10  }
0x32: {  	s10 =	sld [smem:$0x3FB6];
	_ =	sdelay $0x3  }
0x33: {  	p0 =	seq.s32 s10, $0x1;
	s10 =	sld [smem:$0x3FB8];
	_ =	sdelay $0x3  }
0x34: {  	[smem:$0x3FB8] =	sst s10  }
0x35: {  	s10 =	sld [smem:$0x3FB7];
	_ =	sdelay $0x3  }
0x36: {  	p1 =	seq.s32 s10, $0x1;
	s10 =	sld [smem:$0x3FB8];
	_ =	sdelay $0x3  }
0x37: {  	[smem:$0x3FB8] =	sst s10  }
0x38: {  	s10 =	sld [smem:$0x3FB9]  }
0x39: {  	_ = 	snop;
	(pc) =	sbr.ind lr, $3  }
0x3a: {  	_ = 	snop  }
0x3b: {  	_ = 	snop  }
0x3c: {  	p2 =	seq.s32 s10, $0x1;
	s10 =	sld [smem:$0x3FB8]  }
0x3d: {  	_ =	shalt  }
0x3e: {  	_ =	shalt  }
0x3f: {  	_ =	shalt  }
0x40: {  	_ =	shalt  }
0x41: {  	_ =	shalt  }
0x42: {  	_ =	shalt  }
0x43: {  	_ =	shalt  }
0x44: {  	_ =	shalt  }
0x45: {  	_ =	shalt  }
0x46: {  	_ =	shalt  }
0x47: {  	_ =	shalt  }
0x48: {  	_ =	shalt  }
0x49: {  	_ =	shalt  }
0x4a: {  	_ =	shalt  }
0x4b: {  	_ =	shalt  }
0x4c: {  	_ =	shalt  }
0x4d: {  	_ =	shalt  }
0x4e: {  	_ =	shalt  }
0x4f: {  	_ =	shalt  }
0x50: {  	_ =	shalt  }
0x51: {  	_ =	shalt  }
0x52: {  	_ =	shalt  }
0x53: {  	_ =	shalt  }
0x54: {  	_ =	shalt  }
0x55: {  	_ =	shalt  }
0x56: {  	_ =	shalt  }
0x57: {  	_ =	shalt  }
0x58: {  	_ =	shalt  }
0x59: {  	_ =	shalt  }
0x5a: {  	_ =	shalt  }
0x5b: {  	_ =	shalt  }
0x5c: {  	_ =	shalt  }
0x5d: {  	_ =	shalt  }
0x5e: {  	_ =	shalt  }
0x5f: {  	_ =	shalt  }
0x60: {  	_ =	shalt  }
0x61: {  	_ =	shalt  }
0x62: {  	_ =	shalt  }
0x63: {  	_ =	shalt  }
0x64: {  	_ =	shalt  }
0x65: {  	_ =	shalt  }
0x66: {  	_ =	shalt  }
0x67: {  	_ =	shalt  }
0x68: {  	_ =	shalt  }
0x69: {  	_ =	shalt  }
0x6a: {  	_ =	shalt  }
0x6b: {  	_ =	shalt  }
0x6c: {  	_ =	shalt  }
0x6d: {  	_ =	shalt  }
0x6e: {  	_ =	shalt  }
0x6f: {  	_ =	shalt  }
0x70: {  	_ =	shalt  }
0x71: {  	_ =	shalt  }
0x72: {  	_ =	shalt  }
0x73: {  	_ =	shalt  }
0x74: {  	_ =	shalt  }
0x75: {  	_ =	shalt  }
0x76: {  	_ =	shalt  }
0x77: {  	_ =	shalt  }
0x78: {  	_ =	shalt  }
0x79: {  	_ =	shalt  }
0x7a: {  	_ =	shalt  }
0x7b: {  	_ =	shalt  }
0x7c: {  	_ =	shalt  }
0x7d: {  	_ =	shalt  }
0x7e: {  	_ =	shalt  }
0x7f: {  	_ =	shalt  }
0x80: {  	_ =	shalt  }
0x81: {  	_ =	shalt  }
0x82: {  	_ =	shalt  }
0x83: {  	_ =	shalt  }
0x84: {  	_ =	shalt  }
0x85: {  	_ =	shalt  }
0x86: {  	_ =	shalt  }
0x87: {  	_ =	shalt  }
.Lfunc_end0:
.L_simem_size_0:
called_computation.1_lowered:
.L_overlay_start_0:
0x88: {  	s2 =	sld [smem:$0x3FD9]  }
0x89: {  	s3 =	sld [smem:$0x3FFE];
	_ =	sdelay $0x1  }
0x8a: {  	s1 =	srdreg.scid  }
0x8b: {  	s0 =	sand.u32 $0x1, s1  }
0x8c: {  	s17 =	sshll.u32 s0, $0xA;
	s2 =	sadd.s32 s3, s2  }
0x8d: {  	s2 =	sadd.s32 s2, s17  }
0x8e: {  	[smem:$0x3FC4] =	sst s2  }
0x8f: {  	_ = 	snop  }
0x90: {  	s2 =	sld [smem:$0x3FD0];
	(tm) =	ssettm $0x1  }
0x91: {  	s18 =	sld [smem:$0x3FFB];
	_ =	sdelay $0x3  }
0x92: {  	_ =	strace s18  }
0x93: {  	s3 =	sld [smem:$0x3FFC];
	_ =	sdelay $0x3  }
0x94: {  	_ =	strace s3  }
0x95: {  	s3 =	sld [smem:$0x3FFD];
	_ =	sdelay $0x3  }
0x96: {  	_ =	strace s3  }
0x97: {  	_ =	strace $0x8FFFFFFF  }
0x98: {  	s19 =	sld [smem:$0x3FDB];
	_ =	sdelay $0x1  }
0x99: {  	s4 =	simm.s32 $_scs_section_size  }
0x9a: {  	s5 =	simm.s32 $_size__tile_overlayer_lowered;
	s6 =	simm.s32 $_tile_overlayer_lowered  }
0x9b: {  	s22 =	simm.s32 $0x1BFF;
	s21 =	sshll.u32 s6, $0x1;
	s3 =	sadd.s32 s4, s19  }
0x9c: {  	s7 =	simm.s32 $0x0;
	s20 =	sshll.u32 s5, $0x1;
	s5 =	sadd.s32 s21, s3  }
0x9d: {  	[timem:s7], [sflag:s22] =	dma.local [hbm:s5], s20  }
0x9e: {  	_ =	swait.ge [sflag:s22], s20  }
0x9f: {  	s4 =	ssub.s32 $0x0, s20;
	[sflag:s22] =	ssyncset.done $0x0  }
0xa0: {  	[sflag:s22] =	ssyncadd.s32 s4;
	_ =	sdelay $0x1  }
0xa1: {  	s23 =	simm.s32 $0x1B8B  }
0xa2: {  	_ =	swait.ge [sflag:s23], $0x1  }
0xa3: {  	[sflag:s23] =	ssyncset.done $0x0  }
0xa4: {  	s25 =	simm.s32 $0x1B8E;
	s24 =	sld [smem:$0x3FFE];
	[sflag:s23] =	ssyncadd.s32 $0xFFFFFFFF  }
0xa5: {  	s26 =	simm.s32 $execute0_lowered;
	[smem:$0x3FD2] =	sst s25  }
0xa6: {  	s5 =	sshll.u32 s26, $0x1;
	_ =	strace $0x80000049;
	[dreg:$0x1] =	wrdreg $0xFFFFFFFF  }
0xa7: {  	s28 =	simm.s32 $_size_execute0_lowered;
	s3 =	sadd.s32 s3, s5;
	[dreg:$0x0] =	wrdreg $0x0  }
0xa8: {  	s5 =	sshll.u32 s28, $0x1;
	[dreg:$0x2] =	wrdreg s3  }
0xa9: {  	[dreg:$0x3] =	wrdreg s5  }
0xaa: {  	[dreg:$0x4] =	wrdreg $0xC0  }
0xab: {  	_ =	task [dreg:s7], $0x5FFFF  }
0xac: {  	[dreg:$0x1] =	wrdreg $0xFFFFFFFF  }
0xad: {  	[dreg:$0x0] =	wrdreg $0x60  }
0xae: {  	[dreg:$0x2] =	wrdreg s24  }
0xaf: {  	[dreg:$0x3] =	wrdreg s2  }
0xb0: {  	[dreg:$0x4] =	wrdreg $0x9  }
0xb1: {  	_ =	task.clear_ibuf [dreg:s7], $0x5FFFF;
	_ =	strace $0x90000049  }
0xb2: {  	s29 =	simm.s32 $0x9;
	_ =	strace $0x8000004B  }
0xb3: {  	_ =	swait.ge [sflag:s29], $0x1  }
0xb4: {  	[sflag:s29] =	ssyncadd.s32 $0xFFFFFFFF  }
0xb5: {  	_ =	strace $0x9000004B  }
0xb6: {  	_ =	sfence  }
0xb7: {  	s30 =	sld [smem:$0x0];
	_ =	sdelay $0x2  }
0xb8: {  	s31 =	sshll.u32 s1, $0xD;
	s1 =	sshrl.u32 s1, $0x2  }
0xb9: {  	s3 =	sand.u32 $0x4000, s31;
	s1 =	sadd.s32 s1, s30  }
0xba: {  	s0 =	sor.u32 s3, s0;
	s1 =	sshll.u32 s1, $0x11  }
0xbb: {  	s0 =	sor.u32 s1, s0  }
0xbc: {  	s0 =	sadd.s32 $0x8F2B, s0  }
0xbd: {  	[sflag:s0] =	ssyncadd.remote.s32 $0x1  }
0xbe: {  	_ =	sfence.sel $0xFFFF  }
0xbf: {  	[dreg:$0x0] =	wrdreg $0xFFFFFFFF;
	(pc) =	sbr.abs _section_cstart, $3  }
0xc0: {  	[dreg:$0x1] =	wrdreg $0xFFFFFFFF  }
0xc1: {  	_ =	task.clear_ibuf [dreg:s7], $0x2FFFF;
	_ =	strace $0x9FFFFFFF  }
0xc2: {  	(tm) =	ssettm $0x7FFFFFFF  }
0xc3: {  	_ =	shalt  }
tec
execute0_lowered:
.L_overlay_start_1:
0x0: {  	(tag) =	ssettag $0x1  }
0x1: {  	s0 =	rddreg [dreg:$0x0];
	s1 =	simm.s32 $0x0  }
0x2: {  	s26 =	srdreg.scid;
	s5 =	stileid.u32;
	s12 =	simm.s32 $0x2  }
0x3: {  	s13 =	simm.s32 $0x580;
	s14 =	simm.s32 $0x80;
	s30 =	simm.s32 $0x6880  }
0x4: {  	s31 =	simm.s32 $0xA80;
	s11 =	simm.s32 $0x6980;
	s8 =	simm.s32 $0xB80  }
0x5: {  	s10 =	simm.s32 $0x6A00;
	s15 =	simm.s32 $0x6A90;
	[smem:$0x7FF] =	sst s1  }
0x6: {  	s17 =	simm.s32 $0x0;
	s3 =	sadd.s32 $0xF1BC00, s0;
	s4 =	sadd.s32 $0xF26C00, s0  }
0x7: {  	s1 =	sand.u32 $0x1, s26;
	s6 =	sadd.s32 $0x800, s0;
	s7 =	sadd.s32 $0xF33C00, s0  }
0x8: {  	s0 =	sadd.s32 $0xF53800, s0;
	s29 =	sshll.u32 s5, $0x4;
	s2 =	ssub.s32 $0x2, s1  }
0x9: {  	s5 =	simm.s32 $0xB00;
	_ =	strace $0x8000004A;
	s28 =	sshrl.u32 s2, $0x1  }
0xa: {  	[dreg:$0x3] =	wrdreg s0;
	s1 =	sshll.u32 s1, $0x3;
	s0 =	ssub.s32 s2, s28  }
0xb: {  	v0 =	vlaneseq.u32;
	s9 =	sor.u32 s1, s29;
	s1 =	simm.s32 $0x1;
	s0 =	smax.u32 s0, $0x1  }
0xc: {  	vm0 =	vmmov $0x3ff;
	v0 =	vmul.u32 $0x10, v0;
	s2 =	simm.s32 $0x6B90;
	[dreg:$0x4] =	wrdreg s0;
	s0 =	simm.s32 $0x6900  }
.LBB2_1:
0xd: {  	[dreg:$0x5] =	wrdreg s17  }
0xe: {  	s16 =	simm.s32 $0x0;
	s29 =	rddreg [dreg:$0x3];
	s18 =	simm.s32 $0x6BD0  }
0xf: {  	[tilespmem:s18], [sflag:$0x2] =	stream.linear.gather [hbm4b:s29+s16], $0x10, $0x38;
	[tilespmem:$0x6BE0] =	vst v63  }
0x10: {  	_ =	swait.ge [sflag:s12], $0x10  }
0x11: {  	[sflag:s12] =	ssyncset.done $0x0  }
0x12: {  	s16 =	simm.s32 $0x0;
	[sflag:s12] =	ssyncadd.s32 $0xFFFFFFF0  }
.LBB2_2:
0x13: {  	s17 =	sadd.s32 s9, s16  }
0x14: {  	s18 =	smul.u32 $0xB0, s17;
	_ =	sdelay $0x1  }
0x15: {  	s19 =	sadd.s32 s3, s18;
	s18 =	simm.s32 $0x0  }
0x16: {  	[tilespmem:s18], [sflag:$0x2] =	stream.linear.gather [hbm4b:s19+s18], $0x580, $0x38;
	[tilespmem:$0x6BE0] =	vst v63  }
0x17: {  	s23 =	smul.u32 $0xD0, s17;
	_ =	swait.ge [sflag:s12], $0x580  }
0x18: {  	[sflag:s12] =	ssyncset.done $0x0  }
0x19: {  	s19 =	sadd.s32 s4, s23;
	[sflag:s12] =	ssyncadd.s32 $0xFFFFFA80  }
0x1a: {  	[tilespmem:s13], [sflag:$0x2] =	stream.linear.gather [hbm4b:s19+s18], $0x680, $0x38;
	[tilespmem:$0x6BE0] =	vst v63  }
0x1b: {  	_ =	swait.ge [sflag:s12], $0x680  }
0x1c: {  	[sflag:s12] =	ssyncset.done $0x0  }
0x1d: {  	s24 =	simm.s32 $0xC00;
	[sflag:s12] =	ssyncadd.s32 $0xFFFFF980  }
0x1e: {  	[tilespmem:s24], [sflag:$0x1] =	stream.indirect.gather [hbm4b:s6+s14], $0x10, s18, s14, $0xb8;
	[tilespmem:$0x6BE0] =	vst v63  }
0x1f: {  	s25 =	simm.s32 $0x1400  }
0x20: {  	[tilespmem:s25], [sflag:$0x1] =	stream.indirect.gather [hbm4b:s6+s14], $0x10, s14, s14, $0xb8;
	[tilespmem:$0x6BE0] =	vst v63  }
0x21: {  	s26 =	simm.s32 $0x100;
	s20 =	simm.s32 $0x1C00  }
0x22: {  	[tilespmem:s20], [sflag:$0x1] =	stream.indirect.gather [hbm4b:s6+s14], $0x10, s26, s14, $0xb8;
	[tilespmem:$0x6BE0] =	vst v63  }
0x23: {  	s28 =	simm.s32 $0x180;
	s29 =	simm.s32 $0x2400  }
0x24: {  	[tilespmem:s29], [sflag:$0x1] =	stream.indirect.gather [hbm4b:s6+s14], $0x10, s28, s14, $0xb8;
	[tilespmem:$0x6BE0] =	vst v63  }
0x25: {  	s21 =	simm.s32 $0x200;
	s22 =	simm.s32 $0x2C00  }
0x26: {  	[tilespmem:s22], [sflag:$0x1] =	stream.indirect.gather [hbm4b:s6+s14], $0x10, s21, s14, $0xb8;
	[tilespmem:$0x6BE0] =	vst v63  }
0x27: {  	s23 =	simm.s32 $0x280;
	s24 =	simm.s32 $0x3400  }
0x28: {  	[tilespmem:s24], [sflag:$0x1] =	stream.indirect.gather [hbm4b:s6+s14], $0x10, s23, s14, $0xb8;
	[tilespmem:$0x6BE0] =	vst v63  }
0x29: {  	s25 =	simm.s32 $0x300;
	s26 =	simm.s32 $0x3C00  }
0x2a: {  	[tilespmem:s26], [sflag:$0x1] =	stream.indirect.gather [hbm4b:s6+s14], $0x10, s25, s14, $0xb8;
	[tilespmem:$0x6BE0] =	vst v63  }
0x2b: {  	s28 =	simm.s32 $0x380;
	s29 =	simm.s32 $0x4400  }
0x2c: {  	[tilespmem:s29], [sflag:$0x1] =	stream.indirect.gather [hbm4b:s6+s14], $0x10, s28, s14, $0xb8;
	[tilespmem:$0x6BE0] =	vst v63  }
0x2d: {  	s21 =	simm.s32 $0x400;
	s22 =	simm.s32 $0x4C00  }
0x2e: {  	[tilespmem:s22], [sflag:$0x1] =	stream.indirect.gather [hbm4b:s6+s14], $0x10, s21, s14, $0xb8;
	[tilespmem:$0x6BE0] =	vst v63  }
0x2f: {  	s23 =	simm.s32 $0x480;
	s24 =	simm.s32 $0x5400  }
0x30: {  	[tilespmem:s24], [sflag:$0x1] =	stream.indirect.gather [hbm4b:s6+s14], $0x10, s23, s14, $0xb8;
	[tilespmem:$0x6BE0] =	vst v63  }
0x31: {  	s25 =	simm.s32 $0x500;
	s26 =	simm.s32 $0x5C00  }
0x32: {  	[tilespmem:s26], [sflag:$0x1] =	stream.indirect.gather [hbm4b:s6+s14], $0x10, s25, s14, $0xb8;
	[tilespmem:$0x6BE0] =	vst v63  }
0x33: {  	s24 =	simm.s32 $0x6400  }
0x34: {  	[tilespmem:s24], [sflag:$0x1] =	stream.indirect.gather [hbm4b:s7+s14], $0x1, s13, s14, $0xb8;
	[tilespmem:$0x6BE0] =	vst v63  }
0x35: {  	s28 =	simm.s32 $0x600;
	s29 =	simm.s32 $0x6480  }
0x36: {  	[tilespmem:s29], [sflag:$0x1] =	stream.indirect.gather [hbm4b:s7+s14], $0x1, s28, s14, $0xb8;
	[tilespmem:$0x6BE0] =	vst v63  }
0x37: {  	s20 =	simm.s32 $0x680;
	s21 =	simm.s32 $0x6500  }
0x38: {  	[tilespmem:s21], [sflag:$0x1] =	stream.indirect.gather [hbm4b:s7+s14], $0x1, s20, s14, $0xb8;
	[tilespmem:$0x6BE0] =	vst v63  }
0x39: {  	s22 =	simm.s32 $0x700;
	s23 =	simm.s32 $0x6580  }
0x3a: {  	[tilespmem:s23], [sflag:$0x1] =	stream.indirect.gather [hbm4b:s7+s14], $0x1, s22, s14, $0xb8;
	[tilespmem:$0x6BE0] =	vst v63  }
0x3b: {  	s25 =	simm.s32 $0x780;
	s26 =	simm.s32 $0x6600  }
0x3c: {  	[tilespmem:s26], [sflag:$0x1] =	stream.indirect.gather [hbm4b:s7+s14], $0x1, s25, s14, $0xb8;
	[tilespmem:$0x6BE0] =	vst v63  }
0x3d: {  	s28 =	simm.s32 $0x800;
	s29 =	simm.s32 $0x6680  }
0x3e: {  	[tilespmem:s29], [sflag:$0x1] =	stream.indirect.gather [hbm4b:s7+s14], $0x1, s28, s14, $0xb8;
	[tilespmem:$0x6BE0] =	vst v63  }
0x3f: {  	s21 =	simm.s32 $0x880;
	s22 =	simm.s32 $0x6700  }
0x40: {  	[tilespmem:s22], [sflag:$0x1] =	stream.indirect.gather [hbm4b:s7+s14], $0x1, s21, s14, $0xb8;
	[tilespmem:$0x6BE0] =	vst v63  }
0x41: {  	s23 =	simm.s32 $0x900;
	s25 =	simm.s32 $0x6780  }
0x42: {  	[tilespmem:s25], [sflag:$0x1] =	stream.indirect.gather [hbm4b:s7+s14], $0x1, s23, s14, $0xb8;
	[tilespmem:$0x6BE0] =	vst v63  }
0x43: {  	s26 =	simm.s32 $0x980;
	s28 =	simm.s32 $0x6800  }
0x44: {  	[tilespmem:s28], [sflag:$0x1] =	stream.indirect.gather [hbm4b:s7+s14], $0x1, s26, s14, $0xb8;
	[tilespmem:$0x6BE0] =	vst v63  }
0x45: {  	s29 =	simm.s32 $0xA00  }
0x46: {  	[tilespmem:s30], [sflag:$0x1] =	stream.indirect.gather [hbm4b:s7+s14], $0x1, s29, s14, $0xb8;
	[tilespmem:$0x6BE0] =	vst v63  }
0x47: {  	_ = 	snop  }
0x48: {  	[tilespmem:s0], [sflag:$0x1] =	stream.indirect.gather [hbm4b:s7+s14], $0x1, s31, s14, $0xb8;
	[tilespmem:$0x6BE0] =	vst v63  }
0x49: {  	_ = 	snop  }
0x4a: {  	[tilespmem:s11], [sflag:$0x1] =	stream.indirect.gather [hbm4b:s7+s14], $0x1, s5, s14, $0xb8;
	[tilespmem:$0x6BE0] =	vst v63  }
0x4b: {  	_ = 	snop  }
0x4c: {  	[tilespmem:s10], [sflag:$0x1] =	stream.indirect.gather [hbm4b:s7+s14], $0x1, s8, s14, $0xb8;
	[tilespmem:$0x6BE0] =	vst v63  }
0x4d: {  	_ =	swait.ge [sflag:s1], $0x800  }
0x4e: {  	[sflag:s1] =	ssyncset.done $0x0  }
0x4f: {  	[sflag:s1] =	ssyncadd.s32 $0xFFFFF800  }
0x50: {  	_ =	swait.ge [sflag:s1], $0x800  }
0x51: {  	[sflag:s1] =	ssyncset.done $0x0  }
0x52: {  	[sflag:s1] =	ssyncadd.s32 $0xFFFFF800  }
0x53: {  	_ =	swait.ge [sflag:s1], $0x800  }
0x54: {  	[sflag:s1] =	ssyncset.done $0x0  }
0x55: {  	[sflag:s1] =	ssyncadd.s32 $0xFFFFF800  }
0x56: {  	_ =	swait.ge [sflag:s1], $0x800  }
0x57: {  	[sflag:s1] =	ssyncset.done $0x0  }
0x58: {  	[sflag:s1] =	ssyncadd.s32 $0xFFFFF800  }
0x59: {  	_ =	swait.ge [sflag:s1], $0x800  }
0x5a: {  	[sflag:s1] =	ssyncset.done $0x0  }
0x5b: {  	[sflag:s1] =	ssyncadd.s32 $0xFFFFF800  }
0x5c: {  	_ =	swait.ge [sflag:s1], $0x800  }
0x5d: {  	[sflag:s1] =	ssyncset.done $0x0  }
0x5e: {  	[sflag:s1] =	ssyncadd.s32 $0xFFFFF800  }
0x5f: {  	_ =	swait.ge [sflag:s1], $0x800  }
0x60: {  	[sflag:s1] =	ssyncset.done $0x0  }
0x61: {  	[sflag:s1] =	ssyncadd.s32 $0xFFFFF800  }
0x62: {  	_ =	swait.ge [sflag:s1], $0x800  }
0x63: {  	[sflag:s1] =	ssyncset.done $0x0  }
0x64: {  	[sflag:s1] =	ssyncadd.s32 $0xFFFFF800  }
0x65: {  	_ =	swait.ge [sflag:s1], $0x800  }
0x66: {  	[sflag:s1] =	ssyncset.done $0x0  }
0x67: {  	[sflag:s1] =	ssyncadd.s32 $0xFFFFF800  }
0x68: {  	_ =	swait.ge [sflag:s1], $0x800  }
0x69: {  	[sflag:s1] =	ssyncset.done $0x0  }
0x6a: {  	[sflag:s1] =	ssyncadd.s32 $0xFFFFF800  }
0x6b: {  	_ =	swait.ge [sflag:s1], $0x800  }
0x6c: {  	[sflag:s1] =	ssyncset.done $0x0  }
0x6d: {  	[sflag:s1] =	ssyncadd.s32 $0xFFFFF800  }
0x6e: {  	_ =	swait.ge [sflag:s1], $0x80  }
0x6f: {  	[sflag:s1] =	ssyncset.done $0x0  }
0x70: {  	[sflag:s1] =	ssyncadd.s32 $0xFFFFFF80  }
0x71: {  	_ =	swait.ge [sflag:s1], $0x80  }
0x72: {  	[sflag:s1] =	ssyncset.done $0x0  }
0x73: {  	[sflag:s1] =	ssyncadd.s32 $0xFFFFFF80  }
0x74: {  	_ =	swait.ge [sflag:s1], $0x80  }
0x75: {  	[sflag:s1] =	ssyncset.done $0x0  }
0x76: {  	[sflag:s1] =	ssyncadd.s32 $0xFFFFFF80  }
0x77: {  	_ =	swait.ge [sflag:s1], $0x80  }
0x78: {  	[sflag:s1] =	ssyncset.done $0x0  }
0x79: {  	[sflag:s1] =	ssyncadd.s32 $0xFFFFFF80  }
0x7a: {  	_ =	swait.ge [sflag:s1], $0x80  }
0x7b: {  	[sflag:s1] =	ssyncset.done $0x0  }
0x7c: {  	[sflag:s1] =	ssyncadd.s32 $0xFFFFFF80  }
0x7d: {  	_ =	swait.ge [sflag:s1], $0x80  }
0x7e: {  	[sflag:s1] =	ssyncset.done $0x0  }
0x7f: {  	[sflag:s1] =	ssyncadd.s32 $0xFFFFFF80  }
0x80: {  	_ =	swait.ge [sflag:s1], $0x80  }
0x81: {  	[sflag:s1] =	ssyncset.done $0x0  }
0x82: {  	[sflag:s1] =	ssyncadd.s32 $0xFFFFFF80  }
0x83: {  	_ =	swait.ge [sflag:s1], $0x80  }
0x84: {  	[sflag:s1] =	ssyncset.done $0x0  }
0x85: {  	[sflag:s1] =	ssyncadd.s32 $0xFFFFFF80  }
0x86: {  	_ =	swait.ge [sflag:s1], $0x80  }
0x87: {  	[sflag:s1] =	ssyncset.done $0x0  }
0x88: {  	[sflag:s1] =	ssyncadd.s32 $0xFFFFFF80  }
0x89: {  	_ =	swait.ge [sflag:s1], $0x80  }
0x8a: {  	[sflag:s1] =	ssyncset.done $0x0  }
0x8b: {  	[sflag:s1] =	ssyncadd.s32 $0xFFFFFF80  }
0x8c: {  	_ =	swait.ge [sflag:s1], $0x80  }
0x8d: {  	[sflag:s1] =	ssyncset.done $0x0  }
0x8e: {  	[sflag:s1] =	ssyncadd.s32 $0xFFFFFF80  }
0x8f: {  	_ =	swait.ge [sflag:s1], $0x80  }
0x90: {  	[sflag:s1] =	ssyncset.done $0x0  }
0x91: {  	[sflag:s1] =	ssyncadd.s32 $0xFFFFFF80  }
0x92: {  	_ =	swait.ge [sflag:s1], $0x80  }
0x93: {  	[sflag:s1] =	ssyncset.done $0x0  }
0x94: {  	[sflag:s1] =	ssyncadd.s32 $0xFFFFFF80  }
0x95: {  	s20 =	simm.s32 $0xCB0;
	s22 =	simm.s32 $0x0;
	s25 =	simm.s32 $0x0;
	v1 =	vld [tilespmem:$0x6BD0]  }
.LBB2_3:
0x96: {  	v2 =	vld [tilespmem:s20+$0xFFFFFFA0]  }
0x97: {  	v3 =	vld [tilespmem:s20+$0xFFFFFF90];
	_ =	sdelay $0x1  }
0x98: {  	v4 =	vld [tilespmem:s20+$0xFFFFFFB0];
	_ =	sdelay $0x1  }
0x99: {  	v5 =	vld [tilespmem:s20+$0xFFFFFFC0]  }
0x9a: {  	v6 =	vadd.f32 v2, v3  }
0x9b: {  	v7 =	vld [tilespmem:s20+$0xFFFFFFD0]  }
0x9c: {  	v6 =	vadd.f32 v4, v6  }
0x9d: {  	v8 =	vld [tilespmem:s20+$0xFFFFFFE0]  }
0x9e: {  	v6 =	vadd.f32 v5, v6  }
0x9f: {  	v9 =	vld [tilespmem:s20+$0xFFFFFFF0]  }
0xa0: {  	v6 =	vadd.f32 v7, v6  }
0xa1: {  	v10 =	vld [tilespmem:s20+$0x0]  }
0xa2: {  	v6 =	vadd.f32 v8, v6  }
0xa3: {  	v11 =	vld [tilespmem:s20+$0x10]  }
0xa4: {  	v6 =	vadd.f32 v9, v6  }
0xa5: {  	v12 =	vld [tilespmem:s20+$0xFFFFFF80]  }
0xa6: {  	v13 =	vadd.f32 v10, v6  }
0xa7: {  	v14 =	vld [tilespmem:s20+$0xFFFFFF70]  }
0xa8: {  	v13 =	vadd.f32 v11, v13  }
0xa9: {  	v15 =	vld [tilespmem:s20+$0xFFFFFF60]  }
0xaa: {  	v13 =	vadd.f32 v13, v12  }
0xab: {  	v16 =	vld [tilespmem:s20+$0xFFFFFF50]  }
0xac: {  	v6 =	vmul.f32 v6, v12;
	v17 =	vmul.f32 v13, v14;
	v13 =	vadd.f32 v13, v14;
	_ =	sdelay $0x1  }
0xad: {  	v6 =	vadd.f32 v17, v6;
	v45 =	vmul.f32 v13, v15;
	v13 =	vadd.f32 v13, v15;
	_ =	sdelay $0x1  }
0xae: {  	v46 =	vmul.f32 v14, v15;
	v6 =	vadd.f32 v45, v6;
	v13 =	vmul.f32 v13, v16;
	_ =	sdelay $0x1  }
0xaf: {  	v48 =	vmul.f32 v12, v14;
	v47 =	vmul.f32 v46, v16;
	v6 =	vadd.f32 v13, v6;
	_ =	sdelay $0x1  }
0xb0: {  	v50 =	vmul.f32 v3, v12;
	v49 =	vmul.f32 v48, v15;
	v6 =	vadd.f32 v6, v47;
	_ =	sdelay $0x1  }
0xb1: {  	v52 =	vmul.f32 v2, v3;
	v51 =	vmul.f32 v50, v14;
	v6 =	vadd.f32 v6, v49;
	_ =	sdelay $0x1  }
0xb2: {  	v53 =	vmul.f32 v4, v2;
	v12 =	vmul.f32 v52, v12;
	v6 =	vadd.f32 v6, v51;
	_ =	sdelay $0x1  }
0xb3: {  	v54 =	vmul.f32 v5, v4;
	v3 =	vmul.f32 v53, v3;
	v6 =	vadd.f32 v6, v12;
	_ =	sdelay $0x1  }
0xb4: {  	v55 =	vmul.f32 v7, v5;
	v2 =	vmul.f32 v54, v2;
	v3 =	vadd.f32 v6, v3;
	_ =	sdelay $0x1  }
0xb5: {  	v2 =	vadd.f32 v3, v2;
	v3 =	vmul.f32 v55, v4;
	v4 =	vmul.f32 v8, v7;
	_ =	sdelay $0x1  }
0xb6: {  	v2 =	vadd.f32 v2, v3;
	v3 =	vmul.f32 v4, v5;
	v4 =	vmul.f32 v9, v8  }
0xb7: {  	v5 =	vld [tilespmem:s20+$0x20]  }
0xb8: {  	v2 =	vadd.f32 v2, v3;
	v3 =	vmul.f32 v4, v7;
	v4 =	vmul.f32 v10, v9  }
0xb9: {  	v56 =	vld [tilespmem:s20+$0x30]  }
0xba: {  	v2 =	vadd.f32 v2, v3;
	v3 =	vmul.f32 v4, v8;
	v4 =	vmul.f32 v11, v10  }
0xbb: {  	v57 =	vld [tilespmem:s20+$0x40]  }
0xbc: {  	v2 =	vadd.f32 v2, v3;
	v3 =	vmul.f32 v4, v9;
	v4 =	vmul.f32 v5, v11  }
0xbd: {  	v58 =	vld [tilespmem:s20+$0x50]  }
0xbe: {  	v2 =	vadd.f32 v2, v3;
	v3 =	vmul.f32 v4, v10;
	v4 =	vmul.f32 v56, v5  }
0xbf: {  	v59 =	vld [tilespmem:s20+$0x60]  }
0xc0: {  	v2 =	vadd.f32 v2, v3;
	v3 =	vmul.f32 v4, v11;
	v4 =	vmul.f32 v57, v56  }
0xc1: {  	v60 =	vld [tilespmem:s20+$0x70]  }
0xc2: {  	v2 =	vadd.f32 v2, v3;
	v3 =	vmul.f32 v4, v5;
	v4 =	vmul.f32 v58, v57  }
0xc3: {  	v5 =	vld [tilespmem:s20+$0x80]  }
0xc4: {  	v2 =	vadd.f32 v2, v3;
	v3 =	vmul.f32 v4, v56;
	v4 =	vmul.f32 v59, v58  }
0xc5: {  	v61 =	vld [tilespmem:s20+$0x90]  }
0xc6: {  	v2 =	vadd.f32 v2, v3;
	v3 =	vmul.f32 v4, v57;
	v4 =	vmul.f32 v60, v59  }
0xc7: {  	v62 =	vld [tilespmem:s20+$0xA0]  }
0xc8: {  	v2 =	vadd.f32 v2, v3;
	v3 =	vmul.f32 v4, v58;
	v4 =	vmul.f32 v5, v60;
	_ =	sdelay $0x1  }
0xc9: {  	v2 =	vadd.f32 v2, v3;
	v3 =	vmul.f32 v4, v59;
	v4 =	vmul.f32 v61, v5;
	_ =	sdelay $0x1  }
0xca: {  	v2 =	vadd.f32 v2, v3;
	v3 =	vmul.f32 v4, v60;
	v4 =	vmul.f32 v62, v61  }
0xcb: {  	v63 =	vld [tilespmem:s24+$0x0];
	s19 =	sand.u32 $0x7FE, s25  }
0xcc: {  	v2 =	vadd.f32 v2, v3;
	v3 =	vmul.f32 v4, v5;
	v4 =	vld [tilespmem:s19+$0x6410];
	_ =	sdelay $0x1  }
0xcd: {  	v2 =	vadd.f32 v2, v3;
	_ =	sdelay $0x1  }
0xce: {  	v2 =	vadd.f32 v2, v63  }
0xcf: {  	v3 =	vnsel vm0, $0x0, v4;
	v4 =	vor.u32 s18, v0  }
0xd0: {  	v2 =	vadd.f32 v2, v3;
	_ =	sdelay $0x1  }
0xd1: {  	v2 =	vadd.f32 v2, v1;
	_ =	sdelay $0x1  }
0xd2: {  	s26 =	sadd.s32 $0x160, s20;
	[tilespmem:v4+s15+$0x0] =	vst.idx.msk $0xffff, v2  }
0xd3: {  	s23 =	simm.s32 $0x1;
	v2 =	vld [tilespmem:s26+$0xFFFFFFA0]  }
0xd4: {  	s28 =	simm.s32 $0x2;
	s21 =	smov.u32 s25;
	s19 =	smov.u32 s24;
	v3 =	vld [tilespmem:s26+$0xFFFFFF90]  }
.LBB2_4:
0xd5: {  	p0 =	sne.s32 s28, $0xF  }
0xd6: {  	v4 =	vld [tilespmem:s26+$0xFFFFFFB0];
	_ =	sdelay $0x1  }
0xd7: {  	v5 =	vld [tilespmem:s26+$0xFFFFFFC0]  }
0xd8: {  	v6 =	vadd.f32 v2, v3  }
0xd9: {  	v7 =	vld [tilespmem:s26+$0xFFFFFFD0]  }
0xda: {  	v6 =	vadd.f32 v4, v6  }
0xdb: {  	v8 =	vld [tilespmem:s26+$0xFFFFFFE0]  }
0xdc: {  	v6 =	vadd.f32 v5, v6  }
0xdd: {  	v9 =	vld [tilespmem:s26+$0xFFFFFFF0]  }
0xde: {  	v6 =	vadd.f32 v7, v6  }
0xdf: {  	v10 =	vld [tilespmem:s26+$0x0]  }
0xe0: {  	v6 =	vadd.f32 v8, v6  }
0xe1: {  	v11 =	vld [tilespmem:s26+$0x10]  }
0xe2: {  	v6 =	vadd.f32 v9, v6  }
0xe3: {  	v12 =	vld [tilespmem:s26+$0xFFFFFF80]  }
0xe4: {  	v13 =	vadd.f32 v10, v6  }
0xe5: {  	v14 =	vld [tilespmem:s26+$0xFFFFFF70]  }
0xe6: {  	v13 =	vadd.f32 v11, v13  }
0xe7: {  	v15 =	vld [tilespmem:s26+$0xFFFFFF60]  }
0xe8: {  	v13 =	vadd.f32 v13, v12  }
0xe9: {  	v16 =	vld [tilespmem:s26+$0xFFFFFF50]  }
0xea: {  	v6 =	vmul.f32 v6, v12;
	v17 =	vmul.f32 v13, v14;
	v13 =	vadd.f32 v13, v14;
	_ =	sdelay $0x1  }
0xeb: {  	v6 =	vadd.f32 v17, v6;
	v17 =	vmul.f32 v13, v15;
	v13 =	vadd.f32 v13, v15;
	_ =	sdelay $0x1  }
0xec: {  	v6 =	vadd.f32 v17, v6;
	v13 =	vmul.f32 v13, v16;
	v17 =	vmul.f32 v14, v15;
	_ =	sdelay $0x1  }
0xed: {  	v6 =	vadd.f32 v13, v6;
	v13 =	vmul.f32 v17, v16;
	v16 =	vmul.f32 v12, v14;
	_ =	sdelay $0x1  }
0xee: {  	v6 =	vadd.f32 v6, v13;
	v13 =	vmul.f32 v16, v15;
	v15 =	vmul.f32 v3, v12;
	_ =	sdelay $0x1  }
0xef: {  	v6 =	vadd.f32 v6, v13;
	v13 =	vmul.f32 v15, v14;
	v14 =	vmul.f32 v2, v3;
	_ =	sdelay $0x1  }
0xf0: {  	v6 =	vadd.f32 v6, v13;
	v12 =	vmul.f32 v14, v12;
	v13 =	vmul.f32 v4, v2;
	_ =	sdelay $0x1  }
0xf1: {  	v6 =	vadd.f32 v6, v12;
	v3 =	vmul.f32 v13, v3;
	v12 =	vmul.f32 v5, v4;
	_ =	sdelay $0x1  }
0xf2: {  	v3 =	vadd.f32 v6, v3;
	v2 =	vmul.f32 v12, v2;
	v6 =	vmul.f32 v7, v5;
	_ =	sdelay $0x1  }
0xf3: {  	v2 =	vadd.f32 v3, v2;
	v3 =	vmul.f32 v6, v4;
	v4 =	vmul.f32 v8, v7;
	_ =	sdelay $0x1  }
0xf4: {  	v2 =	vadd.f32 v2, v3;
	v3 =	vmul.f32 v4, v5;
	v4 =	vmul.f32 v9, v8  }
0xf5: {  	v5 =	vld [tilespmem:s26+$0x20]  }
0xf6: {  	v2 =	vadd.f32 v2, v3;
	v3 =	vmul.f32 v4, v7;
	v4 =	vmul.f32 v10, v9  }
0xf7: {  	v6 =	vld [tilespmem:s26+$0x30]  }
0xf8: {  	v2 =	vadd.f32 v2, v3;
	v3 =	vmul.f32 v4, v8;
	v4 =	vmul.f32 v11, v10  }
0xf9: {  	v7 =	vld [tilespmem:s26+$0x40]  }
0xfa: {  	v2 =	vadd.f32 v2, v3;
	v3 =	vmul.f32 v4, v9;
	v4 =	vmul.f32 v5, v11  }
0xfb: {  	v8 =	vld [tilespmem:s26+$0x50]  }
0xfc: {  	v2 =	vadd.f32 v2, v3;
	v3 =	vmul.f32 v4, v10;
	v4 =	vmul.f32 v6, v5  }
0xfd: {  	v9 =	vld [tilespmem:s26+$0x60]  }
0xfe: {  	v2 =	vadd.f32 v2, v3;
	v3 =	vmul.f32 v4, v11;
	v4 =	vmul.f32 v7, v6  }
0xff: {  	v10 =	vld [tilespmem:s26+$0x70]  }
0x100: {  	v2 =	vadd.f32 v2, v3;
	v3 =	vmul.f32 v4, v5;
	v4 =	vmul.f32 v8, v7  }
0x101: {  	v5 =	vld [tilespmem:s26+$0x80]  }
0x102: {  	v2 =	vadd.f32 v2, v3;
	v3 =	vmul.f32 v4, v6;
	v4 =	vmul.f32 v9, v8  }
0x103: {  	v6 =	vld [tilespmem:s26+$0x90]  }
0x104: {  	v2 =	vadd.f32 v2, v3;
	v3 =	vmul.f32 v4, v7;
	v4 =	vmul.f32 v10, v9  }
0x105: {  	v7 =	vld [tilespmem:s26+$0xA0]  }
0x106: {  	v2 =	vadd.f32 v2, v3;
	v3 =	vmul.f32 v4, v8;
	v4 =	vmul.f32 v5, v10;
	_ =	sdelay $0x1  }
0x107: {  	v2 =	vadd.f32 v2, v3;
	v3 =	vmul.f32 v4, v9;
	v4 =	vmul.f32 v6, v5;
	_ =	sdelay $0x1  }
0x108: {  	s19 =	sadd.s32 $0x1A, s19;
	s21 =	sadd.s32 $0x1A, s21;
	v2 =	vadd.f32 v2, v3;
	v3 =	vmul.f32 v4, v10;
	v4 =	vmul.f32 v7, v6  }
0x109: {  	s29 =	sand.u32 $0x7FE, s21;
	v6 =	vld [tilespmem:s19+$0x0]  }
0x10a: {  	v2 =	vadd.f32 v2, v3;
	v3 =	vmul.f32 v4, v5;
	v4 =	vld [tilespmem:s29+$0x6410];
	_ =	sdelay $0x1  }
0x10b: {  	v2 =	vadd.f32 v2, v3;
	_ =	sdelay $0x1  }
0x10c: {  	v2 =	vadd.f32 v2, v6  }
0x10d: {  	v3 =	vnsel vm0, $0x0, v4;
	v4 =	vor.u32 s23, v0;
	s23 =	smov.u32 s28  }
0x10e: {  	v2 =	vadd.f32 v2, v3;
	_ =	sdelay $0x1  }
.Ltmp0:
0x10f: {  	v2 =	vadd.f32 v2, v1;
	(pc) =	sbr.rel @p0 .LBB2_4-.Ltmp0, $4  }
0x110: {  	_ = 	snop  }
0x111: {  	s26 =	sadd.s32 $0x160, s26;
	[tilespmem:v4+s15+$0x0] =	vst.idx.msk $0xffff, v2  }
0x112: {  	v2 =	vld [tilespmem:s26+$0xFFFFFFA0]  }
0x113: {  	s28 =	sadd.s32 $0x1, s28;
	v3 =	vld [tilespmem:s26+$0xFFFFFF90]  }
0x114: {  	_ = 	snop  }
0x115: {  	v4 =	vld [tilespmem:s26+$0xFFFFFFB0];
	_ =	sdelay $0x1  }
0x116: {  	v5 =	vld [tilespmem:s26+$0xFFFFFFC0]  }
0x117: {  	v6 =	vadd.f32 v2, v3  }
0x118: {  	v7 =	vld [tilespmem:s26+$0xFFFFFFD0]  }
0x119: {  	v6 =	vadd.f32 v4, v6  }
0x11a: {  	v8 =	vld [tilespmem:s26+$0xFFFFFFE0]  }
0x11b: {  	v6 =	vadd.f32 v5, v6  }
0x11c: {  	v9 =	vld [tilespmem:s26+$0xFFFFFFF0]  }
0x11d: {  	v6 =	vadd.f32 v7, v6  }
0x11e: {  	v10 =	vld [tilespmem:s26+$0x0]  }
0x11f: {  	v6 =	vadd.f32 v8, v6  }
0x120: {  	v11 =	vld [tilespmem:s26+$0x10]  }
0x121: {  	v6 =	vadd.f32 v9, v6  }
0x122: {  	v12 =	vld [tilespmem:s26+$0xFFFFFF80]  }
0x123: {  	v13 =	vadd.f32 v10, v6  }
0x124: {  	v14 =	vld [tilespmem:s26+$0xFFFFFF70]  }
0x125: {  	v13 =	vadd.f32 v11, v13  }
0x126: {  	v15 =	vld [tilespmem:s26+$0xFFFFFF60]  }
0x127: {  	v13 =	vadd.f32 v13, v12  }
0x128: {  	v16 =	vld [tilespmem:s26+$0xFFFFFF50]  }
0x129: {  	v6 =	vmul.f32 v6, v12;
	v17 =	vmul.f32 v13, v14;
	v13 =	vadd.f32 v13, v14;
	_ =	sdelay $0x1  }
0x12a: {  	v6 =	vadd.f32 v17, v6;
	v63 =	vmul.f32 v13, v15;
	v13 =	vadd.f32 v13, v15;
	_ =	sdelay $0x1  }
0x12b: {  	v20 =	vmul.f32 v14, v15;
	v6 =	vadd.f32 v63, v6;
	v13 =	vmul.f32 v13, v16;
	_ =	sdelay $0x1  }
0x12c: {  	v22 =	vmul.f32 v12, v14;
	v21 =	vmul.f32 v20, v16;
	v6 =	vadd.f32 v13, v6;
	_ =	sdelay $0x1  }
0x12d: {  	v24 =	vmul.f32 v3, v12;
	v23 =	vmul.f32 v22, v15;
	v6 =	vadd.f32 v6, v21;
	_ =	sdelay $0x1  }
0x12e: {  	v26 =	vmul.f32 v2, v3;
	v25 =	vmul.f32 v24, v14;
	v6 =	vadd.f32 v6, v23;
	_ =	sdelay $0x1  }
0x12f: {  	v27 =	vmul.f32 v4, v2;
	v12 =	vmul.f32 v26, v12;
	v6 =	vadd.f32 v6, v25;
	_ =	sdelay $0x1  }
0x130: {  	v28 =	vmul.f32 v5, v4;
	v3 =	vmul.f32 v27, v3;
	v6 =	vadd.f32 v6, v12;
	_ =	sdelay $0x1  }
0x131: {  	v29 =	vmul.f32 v7, v5;
	v2 =	vmul.f32 v28, v2;
	v3 =	vadd.f32 v6, v3;
	_ =	sdelay $0x1  }
0x132: {  	v30 =	vmul.f32 v8, v7;
	v2 =	vadd.f32 v3, v2;
	v3 =	vmul.f32 v29, v4;
	_ =	sdelay $0x1  }
0x133: {  	v31 =	vmul.f32 v9, v8;
	v2 =	vadd.f32 v2, v3;
	v3 =	vmul.f32 v30, v5  }
0x134: {  	v32 =	vld [tilespmem:s26+$0x20]  }
0x135: {  	v33 =	vmul.f32 v10, v9;
	v2 =	vadd.f32 v2, v3;
	v3 =	vmul.f32 v31, v7  }
0x136: {  	v34 =	vld [tilespmem:s26+$0x30]  }
0x137: {  	v35 =	vmul.f32 v11, v10;
	v2 =	vadd.f32 v2, v3;
	v3 =	vmul.f32 v33, v8  }
0x138: {  	v36 =	vld [tilespmem:s26+$0x40]  }
0x139: {  	v37 =	vmul.f32 v32, v11;
	v2 =	vadd.f32 v2, v3;
	v3 =	vmul.f32 v35, v9  }
0x13a: {  	v38 =	vld [tilespmem:s26+$0x50]  }
0x13b: {  	v39 =	vmul.f32 v34, v32;
	v2 =	vadd.f32 v2, v3;
	v3 =	vmul.f32 v37, v10  }
0x13c: {  	v40 =	vld [tilespmem:s26+$0x60]  }
0x13d: {  	v41 =	vmul.f32 v36, v34;
	v2 =	vadd.f32 v2, v3;
	v3 =	vmul.f32 v39, v11  }
0x13e: {  	v42 =	vld [tilespmem:s26+$0x70]  }
0x13f: {  	v43 =	vmul.f32 v38, v36;
	v2 =	vadd.f32 v2, v3;
	v3 =	vmul.f32 v41, v32  }
0x140: {  	v44 =	vld [tilespmem:s26+$0x80]  }
0x141: {  	v45 =	vmul.f32 v40, v38;
	v2 =	vadd.f32 v2, v3;
	v3 =	vmul.f32 v43, v34  }
0x142: {  	v46 =	vld [tilespmem:s26+$0x90]  }
0x143: {  	v47 =	vmul.f32 v42, v40;
	v2 =	vadd.f32 v2, v3;
	v3 =	vmul.f32 v45, v36  }
0x144: {  	v48 =	vld [tilespmem:s26+$0xA0]  }
0x145: {  	v49 =	vmul.f32 v44, v42;
	v2 =	vadd.f32 v2, v3;
	v3 =	vmul.f32 v47, v38;
	_ =	sdelay $0x1  }
0x146: {  	v50 =	vmul.f32 v46, v44;
	v2 =	vadd.f32 v2, v3;
	v3 =	vmul.f32 v49, v40;
	_ =	sdelay $0x1  }
0x147: {  	s19 =	sadd.s32 $0x1A, s19;
	s21 =	sadd.s32 $0x1A, s21;
	v51 =	vmul.f32 v48, v46;
	v2 =	vadd.f32 v2, v3;
	v3 =	vmul.f32 v50, v42  }
0x148: {  	v52 =	vld [tilespmem:s19+$0x0];
	s28 =	sand.u32 $0x7FE, s21  }
0x149: {  	v53 =	vld [tilespmem:s28+$0x6410];
	v2 =	vadd.f32 v2, v3;
	v3 =	vmul.f32 v51, v44;
	_ =	sdelay $0x1  }
0x14a: {  	v2 =	vadd.f32 v2, v3;
	_ =	sdelay $0x1  }
0x14b: {  	v2 =	vadd.f32 v2, v52  }
0x14c: {  	v54 =	vor.u32 s23, v0;
	v3 =	vnsel vm0, $0x0, v53  }
0x14d: {  	v2 =	vadd.f32 v2, v3;
	_ =	sdelay $0x1  }
0x14e: {  	v2 =	vadd.f32 v2, v1;
	_ =	sdelay $0x1  }
0x14f: {  	[tilespmem:v54+s15+$0x0] =	vst.idx.msk $0xffff, v2  }
0x150: {  	v2 =	vld [tilespmem:$0x6A90]  }
0x151: {  	v3 =	vld [tilespmem:$0x6AA0];
	_ =	sdelay $0x1  }
0x152: {  	v4 =	vld [tilespmem:$0x6AB0];
	_ =	sdelay $0x1  }
0x153: {  	v55 =	vld [tilespmem:$0x6AC0]  }
0x154: {  	v2 =	vadd.f32 v3, v2  }
0x155: {  	v3 =	vld [tilespmem:$0x6AD0]  }
0x156: {  	v2 =	vadd.f32 v4, v2  }
0x157: {  	v56 =	vld [tilespmem:$0x6AE0]  }
0x158: {  	v2 =	vadd.f32 v55, v2  }
0x159: {  	v57 =	vld [tilespmem:$0x6AF0]  }
0x15a: {  	v2 =	vadd.f32 v3, v2  }
0x15b: {  	v3 =	vld [tilespmem:$0x6B00]  }
0x15c: {  	v2 =	vadd.f32 v56, v2  }
0x15d: {  	v58 =	vld [tilespmem:$0x6B10]  }
0x15e: {  	v2 =	vadd.f32 v57, v2  }
0x15f: {  	v59 =	vld [tilespmem:$0x6B20]  }
0x160: {  	v2 =	vadd.f32 v3, v2  }
0x161: {  	v3 =	vld [tilespmem:$0x6B30]  }
0x162: {  	v2 =	vadd.f32 v58, v2  }
0x163: {  	v60 =	vld [tilespmem:$0x6B40]  }
0x164: {  	v2 =	vadd.f32 v59, v2  }
0x165: {  	v61 =	vld [tilespmem:$0x6B50]  }
0x166: {  	v2 =	vadd.f32 v3, v2  }
0x167: {  	v3 =	vld [tilespmem:$0x6B60]  }
0x168: {  	v2 =	vadd.f32 v60, v2  }
0x169: {  	v62 =	vld [tilespmem:$0x6B70]  }
0x16a: {  	v2 =	vadd.f32 v61, v2  }
0x16b: {  	v63 =	vld [tilespmem:$0x6B80]  }
0x16c: {  	v2 =	vadd.f32 v3, v2;
	_ =	sdelay $0x1  }
0x16d: {  	v2 =	vadd.f32 v62, v2;
	_ =	sdelay $0x1  }
0x16e: {  	v2 =	vadd.f32 v63, v2;
	_ =	sdelay $0x1  }
0x16f: {  	v2 =	vsub.f32 $0.0e+00, v2;
	_ =	sdelay $0x1  }
0x170: {  	v2 =	vmul.f32 $1.442695020e+00, v2;
	_ =	sdelay $0x1  }
0x171: {  	(erf) = vpow2.f32 v2;
	_ =	sdelay $0x8  }
0x172: {  	v2 =	vpop (erf)  }
0x173: {  	v2 =	vadd.f32 $1.000000000e+00, v2;
	_ =	sdelay $0x1  }
0x174: {  	(erf) = vrcp.f32 v2;
	_ =	sdelay $0x3  }
0x175: {  	s29 =	sshll.u32 s22, $0x4;
	s22 =	sadd.s32 $0x1, s22  }
0x176: {  	p0 =	sne.s32 s22, $0x4  }
.Ltmp1:
0x177: {  	_ = 	snop;
	(pc) =	sbr.rel @p0 .LBB2_3-.Ltmp1, $3  }
0x178: {  	_ =	sdelay $0x1  }
0x179: {  	s19 =	sand.u32 $0x3FFFFFF0, s29;
	v2 =	vpop (erf)  }
0x17a: {  	s24 =	sadd.s32 $0x1A0, s24;
	s25 =	sadd.s32 $0x1A0, s25;
	s20 =	sadd.s32 $0x1600, s20;
	[tilespmem:s19+$0x6B90] =	vst v2  }
0x17b: {  	s16 =	sadd.s32 $0x1, s16  }
0x17c: {  	s17 =	sshll.u32 s17, $0x3;
	s18 =	rddreg [dreg:$0x1];
	p0 =	sne.s32 s16, $0x8  }
.Ltmp2:
0x17d: {  	s29 =	simm.s32 $0x0;
	s17 =	sadd.s32 s18, s17;
	(pc) =	sbr.rel @p0 .LBB2_2-.Ltmp2, $4  }
0x17e: {  	[hbm4b:s17+s29] =	stream.linear.scatter [tilespmem:s2], [sflag:$0x2], $0x40, $0x38;
	[tilespmem:$0x6BE0] =	vst v63  }
0x17f: {  	_ =	swait.ge [sflag:s12], $0x40  }
0x180: {  	[sflag:s12] =	ssyncset.done $0x0  }
0x181: {  	[sflag:s12] =	ssyncadd.s32 $0xFFFFFFC0  }
0x182: {  	s17 =	rddreg [dreg:$0x5]  }
0x183: {  	s16 =	rddreg [dreg:$0x4];
	s17 =	sadd.s32 $0x1, s17  }
0x184: {  	p0 =	sne.s32 s17, s16  }
.Ltmp3:
0x185: {  	_ = 	snop;
	(pc) =	sbr.rel @p0 .LBB2_1-.Ltmp3, $1  }
0x186: {  	_ =	sdelay $0x3  }
0x187: {  	_ =	sfence.sel $0x180000  }
0x188: {  	[bflag:$0x0] =	sbarrier.arrive $0xFFFF  }
0x189: {  	_ =	strace $0x9000004A  }
0x18a: {  	s0 =	stileid.u32;
	[bflag:$0x2] =	sbarrier.arrive $0xFFFF  }
0x18b: {  	p0 =	sne.s32 s0, $0x0;
	s0 =	rddreg [dreg:$0x2]  }
0x18c: {  	s0 =	sadd.s32 @!p0 $0x100000, s0  }
0x18d: {  	[sflag:s0] =	ssyncadd.tile.s32 @!p0 $0x1;
	_ =	shalt  }
.Lfunc_end2:
_tile_overlayer_lowered:
.L_overlay_start_2:
0x18e: {  	(tag) =	ssettag $0x2  }
0x18f: {  	s0 =	rddreg [dreg:$0x0];
	s2 =	stileid.u32  }
0x190: {  	s1 =	rddreg [dreg:$0x1];
	p0 =	sne.s32 s2, $0x0  }
0x191: {  	s3 =	rddreg [dreg:$0x2];
	[bflag:$0x3] =	sbarrier.arrive $0xFFFF;
	s2 =	simm.s32 @!p0 $0x1C02  }
0x192: {  	[timem:s3], [sflag:s2] =	dma.local @!p0 [hbm:s0], s1  }
0x193: {  	s0 =	simm.s32 @!p0 $0x2  }
0x194: {  	_ =	swait.ge @!p0 [sflag:s0], s1  }
0x195: {  	s1 =	ssub.s32 @!p0 $0x0, s1;
	[sflag:s0] =	ssyncset.done @!p0 $0x0  }
0x196: {  	[sflag:s0] =	ssyncadd.s32 @!p0 s1  }
0x197: {  	[bflag:$0x3] =	sbarrier.arrive $0xFFFF  }
0x198: {  	_ =	shalt  }

// kernel: sparse-core-data-format-call.cloned.1.call-start
scs
called_computation_lowered:
.L_overlay_start_0:
0x0: {  	s1 =	sld [smem:$0x3FD9]  }
0x1: {  	s2 =	sld [smem:$0x3FFE];
	_ =	sdelay $0x1  }
0x2: {  	s3 =	srdreg.scid  }
0x3: {  	s0 =	sand.u32 $0x1, s3  }
0x4: {  	s17 =	sshll.u32 s0, $0xA;
	s1 =	sadd.s32 s2, s1  }
0x5: {  	s1 =	sadd.s32 s1, s17  }
0x6: {  	[smem:$0x3FC4] =	sst s1  }
0x7: {  	_ = 	snop  }
0x8: {  	(tm) =	ssettm $0x1  }
0x9: {  	s18 =	sld [smem:$0x3FFB];
	_ =	sdelay $0x3  }
0xa: {  	_ =	strace s18  }
0xb: {  	s1 =	sld [smem:$0x3FFC];
	_ =	sdelay $0x3  }
0xc: {  	_ =	strace s1  }
0xd: {  	s1 =	sld [smem:$0x3FFD];
	_ =	sdelay $0x3  }
0xe: {  	_ =	strace s1  }
0xf: {  	_ =	strace $0x8FFFFFFF  }
0x10: {  	s19 =	sld [smem:$0x3FDB];
	_ =	sdelay $0x1  }
0x11: {  	s20 =	simm.s32 $_scs_section_size  }
0x12: {  	s4 =	simm.s32 $_size__tile_overlayer_lowered;
	s5 =	simm.s32 $_tile_overlayer_lowered  }
0x13: {  	s23 =	simm.s32 $0x1BFF;
	s22 =	sshll.u32 s5, $0x1;
	s1 =	sadd.s32 s20, s19  }
0x14: {  	s6 =	simm.s32 $0x0;
	s21 =	sshll.u32 s4, $0x1;
	s4 =	sadd.s32 s22, s1  }
0x15: {  	[timem:s6], [sflag:s23] =	dma.local [hbm:s4], s21  }
0x16: {  	_ =	swait.ge [sflag:s23], s21  }
0x17: {  	s2 =	ssub.s32 $0x0, s21;
	[sflag:s23] =	ssyncset.done $0x0  }
0x18: {  	[sflag:s23] =	ssyncadd.s32 s2;
	_ =	sdelay $0x1  }
0x19: {  	s24 =	simm.s32 $0x1B8B  }
0x1a: {  	_ =	swait.ge [sflag:s24], $0x1  }
0x1b: {  	[sflag:s24] =	ssyncset.done $0x0  }
0x1c: {  	s26 =	simm.s32 $0x1B8E;
	s25 =	sld [smem:$0x3FFE];
	[sflag:s24] =	ssyncadd.s32 $0xFFFFFFFF  }
0x1d: {  	s27 =	simm.s32 $execute0_lowered;
	[smem:$0x3FD2] =	sst s26  }
0x1e: {  	s4 =	sshll.u32 s27, $0x1;
	_ =	strace $0x80000046;
	[dreg:$0x1] =	wrdreg $0xFFFFFFFF  }
0x1f: {  	s28 =	simm.s32 $_size_execute0_lowered;
	s1 =	sadd.s32 s1, s4;
	[dreg:$0x0] =	wrdreg $0x0  }
0x20: {  	s4 =	sshll.u32 s28, $0x1;
	[dreg:$0x2] =	wrdreg s1  }
0x21: {  	[dreg:$0x3] =	wrdreg s4  }
0x22: {  	[dreg:$0x4] =	wrdreg $0xC0  }
0x23: {  	_ =	task [dreg:s6], $0x5FFFF  }
0x24: {  	[dreg:$0x1] =	wrdreg $0xFFFFFFFF  }
0x25: {  	[dreg:$0x0] =	wrdreg $0x60  }
0x26: {  	[dreg:$0x2] =	wrdreg s25  }
0x27: {  	[dreg:$0x3] =	wrdreg $0x9  }
0x28: {  	_ =	task.clear_ibuf [dreg:s6], $0x4FFFF;
	_ =	strace $0x90000046  }
0x29: {  	s29 =	simm.s32 $0x9;
	_ =	strace $0x80000048  }
0x2a: {  	_ =	swait.ge [sflag:s29], $0x1  }
0x2b: {  	[sflag:s29] =	ssyncadd.s32 $0xFFFFFFFF  }
0x2c: {  	_ =	strace $0x90000048  }
0x2d: {  	_ =	sfence  }
0x2e: {  	s30 =	sld [smem:$0x0];
	_ =	sdelay $0x2  }
0x2f: {  	s31 =	sshll.u32 s3, $0xD;
	s3 =	sshrl.u32 s3, $0x2  }
0x30: {  	s2 =	sand.u32 $0x4000, s31;
	s1 =	sadd.s32 s3, s30  }
0x31: {  	s0 =	sor.u32 s2, s0;
	s1 =	sshll.u32 s1, $0x11  }
0x32: {  	s0 =	sor.u32 s1, s0  }
0x33: {  	s0 =	sadd.s32 $0x8F2B, s0  }
0x34: {  	[sflag:s0] =	ssyncadd.remote.s32 $0x1  }
0x35: {  	_ =	sfence.sel $0xFFFF  }
0x36: {  	[dreg:$0x0] =	wrdreg $0xFFFFFFFF;
	(pc) =	sbr.abs _section_cstart, $3  }
0x37: {  	[dreg:$0x1] =	wrdreg $0xFFFFFFFF  }
0x38: {  	_ =	task.clear_ibuf [dreg:s6], $0x2FFFF;
	_ =	strace $0x9FFFFFFF  }
0x39: {  	(tm) =	ssettm $0x7FFFFFFF  }
tec
execute0_lowered:
.L_overlay_start_1:
0x0: {  	(tag) =	ssettag $0x1  }
0x1: {  	s0 =	srdreg.scid  }
0x2: {  	s6 =	rddreg [dreg:$0x0];
	s7 =	simm.s32 $0x1;
	s1 =	sshll.u32 s0, $0x4  }
0x3: {  	s8 =	simm.s32 $0x2;
	s0 =	stileid.u32;
	s1 =	sand.u32 $0x10, s1  }
0x4: {  	s13 =	simm.s32 $0x0;
	s12 =	simm.s32 $0x0;
	s1 =	sor.u32 s0, s1  }
0x5: {  	s10 =	simm.s32 $0x0;
	s11 =	simm.s32 $0x0;
	s2 =	sshll.u32 s1, $0x7  }
0x6: {  	s3 =	sadd.s32 $0x800, s6;
	s6 =	sadd.s32 $0x1AE400, s6;
	s5 =	ssub.s32 $0xD6D80, s2  }
.Ltmp0:
0x7: {  	s1 =	rddreg [dreg:$0x1];
	s4 =	sand.u32 $0xF80, s5;
	(pc) =	sbr.rel .LBB1_1-.Ltmp0, $4  }
0x8: {  	_ =	strace $0x80000047;
	s9 =	smov.u32 s2;
	p0 =	sne.s32 s4, $0x0  }
0x9: {  	s5 =	sshrl.u32 s5, $0xC;
	s4 =	simm.s32 $0x1;
	s7 =	simm.s32 @!p0 $0x0  }
0xa: {  	[sflag:s4] =	ssyncpa.u1 $0x0;
	p0 =	por $0x0, $0x0;
	s5 =	sadd.s32 s7, s5  }
0xb: {  	[sflag:s8] =	ssyncpa.u1 $0x0;
	s8 =	simm.s32 $0x80;
	s7 =	sadd.s32 $0x1, s5  }
.LBB1_4:
0xc: {  	s13 =	sshll.u32 s13, $0x7;
	s19 =	sshll.u32 s12, $0x3  }
0xd: {  	v5 =	vld [tilespmem:s17+$0xFFFFFFD0];
	[tilespmem:s16+$0x440 ss:$0x11] =	vst.msk $0xffff, v4;
	s20 =	sand.u32 $0xFFFFFC00, s13;
	s19 =	sand.u32 $0xFFFFFC00, s19  }
0xe: {  	v58 =	vld [tilespmem:s17+$0xFFFFFFE0];
	[tilespmem:s16+$0x550 ss:$0x11] =	vst.msk $0xffff, v3;
	s13 =	sand.u32 $0x380, s13;
	s19 =	sadd.s32 s19, s20  }
0xf: {  	s18 =	sshra.s32 s18, $0x2;
	v59 =	vld [tilespmem:s17+$0xFFFFFFF0];
	[tilespmem:s16+$0x660 ss:$0x11] =	vst.msk $0xffff, v2;
	s13 =	sor.u32 s13, s19  }
0x10: {  	v60 =	vld [tilespmem:s17+$0x0];
	[tilespmem:s16+$0x0 ss:$0x11] =	vst.msk $0xffff, v0;
	s15 =	sadd.s32 s18, s15;
	s13 =	sshrl.u32 s13, $0x7  }
0x11: {  	v61 =	vld [tilespmem:s17+$0x10];
	[tilespmem:s15+$0x770 ss:$0x11] =	vst.msk $0xffff, v1;
	s28 =	smulhi.u32 $0x1310A51, s13  }
0x12: {  	v62 =	vld [tilespmem:s17+$0x20];
	[tilespmem:s15+$0x110 ss:$0x11] =	vst.msk $0xffff, v5  }
0x13: {  	v63 =	vld [tilespmem:s17+$0xFFFFFFC0];
	[tilespmem:s15+$0x220 ss:$0x11] =	vst.msk $0xffff, v58;
	s16 =	sshrl.u32 s28, $0xC  }
0x14: {  	[tilespmem:s15+$0x330 ss:$0x11] =	vst.msk $0xffff, v59;
	s16 =	smul.u32 $0xD6D80, s16  }
0x15: {  	s29 =	sshrl.u32 s12, $0x3;
	[tilespmem:s15+$0x440 ss:$0x11] =	vst.msk $0xffff, v60  }
0x16: {  	s31 =	sand.u32 $0x7, s12;
	s30 =	sand.u32 $0xF, s29;
	[tilespmem:s15+$0x550 ss:$0x11] =	vst.msk $0xffff, v61;
	s13 =	ssub.s32 s13, s16  }
0x17: {  	s12 =	sshll.u32 s31, $0x12;
	[tilespmem:s15+$0x660 ss:$0x11] =	vst.msk $0xffff, v62;
	s16 =	sadd.s32 s6, s30;
	s13 =	sshll.u32 s13, $0x4  }
0x18: {  	s12 =	sor.u32 $0x10, s12;
	[tilespmem:s15+$0x0 ss:$0x11] =	vst.msk $0xffff, v63;
	s13 =	sadd.s32 s13, s16  }
0x19: {  	[hbm4b:s13+s12] =	stream.strided.scatter [tilespmem:s14], [sflag:$0x2], $0x800, s8, s12, $0x8;
	[tilespmem:$0x2100] =	vst v63  }
.LBB1_5:
0x1a: {  	s14 =	sadd.s32 $0x1000, s9  }
0x1b: {  	s12 =	sadd.s32 $0x10, s10;
	s16 =	smov.u32 s10;
	p2 =	sgt.s32 s14, $0xD6D7F  }
0x1c: {  	s16 =	smov.u32 @p2 s12  }
0x1d: {  	s14 =	smov.u32 @p2 s2;
	p2 =	sgt.s32 s16, $0xF  }
0x1e: {  	s16 =	simm.s32 @p2 $0x0;
	p2 =	sne.s32 s11, s7  }
.Ltmp1:
0x1f: {  	p1 =	slt.u32 s11, $0x2;
	(pc) =	sbr.rel @!p2 .LBB1_6-.Ltmp1, $4  }
0x20: {  	s15 =	simm.s32 @!p1 $0x2  }
0x21: {  	s13 =	smov.u32 s9;
	p0 =	por !p0, !p0;
	_ =	swait.ge @!p1 [sflag:s15], $0x800  }
0x22: {  	s12 =	smov.u32 s10;
	[sflag:s15] =	ssyncset.done @!p1 $0x0;
	s9 =	smov.u32 s14  }
0x23: {  	s11 =	sadd.s32 $0x1, s11;
	[sflag:s15] =	ssyncadd.s32 @!p1 $0xFFFFF800;
	s10 =	smov.u32 s16  }
.LBB1_1:
0x24: {  	p1 =	sge.u32 s11, s5  }
0x25: {  	s14 =	sshrl.u32 @!p1 s10, $0x3  }
0x26: {  	s15 =	sshll.u32 @!p1 s9, $0x3;
	s14 =	smul.u32 @!p1 $0x6B6C00, s14  }
0x27: {  	s16 =	sshll.u32 @!p1 s10, $0x7;
	s15 =	sand.u32 @!p1 $0xFFFFFC00, s15  }
0x28: {  	s14 =	sadd.s32 @!p1 s14, s15;
	s15 =	sand.u32 @!p1 $0x380, s16  }
0x29: {  	s16 =	sand.u32 @!p1 $0x7F, s9;
	s14 =	sor.u32 @!p1 s15, s14  }
0x2a: {  	s15 =	sor.u32 @!p1 s16, s14  }
0x2b: {  	s16 =	smulhi.u32 @!p1 $0x98852841, s15;
	_ =	sdelay $0x1  }
0x2c: {  	s14 =	smulhi.u32 @!p1 $0x98852841, s14;
	s16 =	sshrl.u32 @!p1 s16, $0x13  }
0x2d: {  	s16 =	smul.u32 @!p1 $0xD6D80, s16  }
0x2e: {  	s31 =	sadd.s32 $0xFFFFFFFF, s11;
	s17 =	sxor.u32 @!p1 $0xFFFFFFFF, s11;
	s14 =	sshrl.u32 @!p1 s14, $0x13  }
0x2f: {  	s17 =	sshll.u32 @!p1 s17, $0xB;
	s14 =	sand.u32 @!p1 $0xF, s14;
	s15 =	ssub.s32 @!p1 s15, s16  }
0x30: {  	s14 =	smul.u32 @!p1 $0x1ADB0, s14;
	s16 =	sshrl.u32 @!p1 s15, $0x3;
	s15 =	sand.u32 @!p1 $0x7, s15  }
0x31: {  	s17 =	sand.u32 @!p1 $0x800, s17;
	s16 =	sadd.s32 @!p1 s3, s16;
	s15 =	sshll.u32 @!p1 s15, $0x12  }
0x32: {  	s14 =	sadd.s32 @!p1 s14, s16;
	s15 =	sor.u32 @!p1 $0x400, s15;
	s16 =	simm.s32 @!p1 $0x6B6C00  }
0x33: {  	[tilespmem:s17], [sflag:$0x1] =	stream.strided.gather @!p1 [hbm4b:s14+s15], $0x800, s16, s15, $0x38;
	[tilespmem:$0x2100] =	vst v63  }
0x34: {  	p1 =	sge.u32 s31, s5  }
.Ltmp2:
0x35: {  	_ = 	snop;
	(pc) =	sbr.rel @p1 .LBB1_5-.Ltmp2, $1  }
0x36: {  	_ =	sdelay $0x3  }
0x37: {  	s14 =	simm.s32 $0x1  }
0x38: {  	_ =	swait.ge [sflag:s4], $0x800;
	s14 =	simm.s32 @!p0 $0x0  }
0x39: {  	[sflag:s4] =	ssyncset.done $0x0;
	s15 =	sshll.u32 s14, $0xB  }
0x3a: {  	[sflag:s4] =	ssyncadd.s32 $0xFFFFF800;
	s17 =	sor.u32 $0x40, s15  }
0x3b: {  	s14 =	smul.u32 $0x2200, s14;
	v0 =	vld [tilespmem:s17+$0x30]  }
0x3c: {  	v1 =	vld [tilespmem:s17+$0xFFFFFFD0]  }
0x3d: {  	s14 =	sshrl.u32 s14, $0x2;
	v5 =	vld [tilespmem:s17+$0xFFFFFFE0]  }
0x3e: {  	v6 =	vld [tilespmem:s17+$0xFFFFFFF0];
	s15 =	sor.u32 $0x1000, s14  }
0x3f: {  	s31 =	sand.u32 $0x1, s11;
	v4 =	vld [tilespmem:s17+$0x0];
	s16 =	sadd.s32 $0x0, s15  }
0x40: {  	v3 =	vld [tilespmem:s17+$0x10];
	s14 =	smul.u32 $0x2200, s31;
	[tilespmem:s16+$0x770 ss:$0x11] =	vst.msk $0xffff, v0  }
0x41: {  	v2 =	vld [tilespmem:s17+$0x20];
	[tilespmem:s16+$0x110 ss:$0x11] =	vst.msk $0xffff, v1  }
0x42: {  	s14 =	sshrl.u32 s14, $0x2;
	v0 =	vld [tilespmem:s17+$0xFFFFFFC0];
	[tilespmem:s16+$0x220 ss:$0x11] =	vst.msk $0xffff, v5;
	s17 =	sadd.s32 $0x80, s17  }
0x43: {  	s18 =	simm.s32 $0x4;
	s19 =	simm.s32 $0x8;
	s14 =	sor.u32 $0x1000, s14;
	[tilespmem:s16+$0x330 ss:$0x11] =	vst.msk $0xffff, v6;
	v1 =	vld [tilespmem:s17+$0x30]  }
.LBB1_3:
0x44: {  	p1 =	sne.s32 s19, $0x3C;
	v5 =	vld [tilespmem:s17+$0xFFFFFFD0];
	[tilespmem:s16+$0x440 ss:$0x11] =	vst.msk $0xffff, v4  }
0x45: {  	v6 =	vld [tilespmem:s17+$0xFFFFFFE0];
	[tilespmem:s16+$0x550 ss:$0x11] =	vst.msk $0xffff, v3  }
0x46: {  	s20 =	sshra.s32 s18, $0x2;
	s18 =	smov.u32 s19;
	v7 =	vld [tilespmem:s17+$0xFFFFFFF0];
	[tilespmem:s16+$0x660 ss:$0x11] =	vst.msk $0xffff, v2  }
.Ltmp3:
0x47: {  	v4 =	vld [tilespmem:s17+$0x0];
	[tilespmem:s16+$0x0 ss:$0x11] =	vst.msk $0xffff, v0;
	s16 =	sadd.s32 s20, s15;
	(pc) =	sbr.rel @p1 .LBB1_3-.Ltmp3, $4  }
0x48: {  	v3 =	vld [tilespmem:s17+$0x10];
	[tilespmem:s16+$0x770 ss:$0x11] =	vst.msk $0xffff, v1  }
0x49: {  	[tilespmem:s16+$0x110 ss:$0x11] =	vst.msk $0xffff, v5;
	v2 =	vld [tilespmem:s17+$0x20]  }
0x4a: {  	v0 =	vld [tilespmem:s17+$0xFFFFFFC0];
	[tilespmem:s16+$0x220 ss:$0x11] =	vst.msk $0xffff, v6;
	s17 =	sadd.s32 $0x80, s17  }
0x4b: {  	s19 =	sadd.s32 $0x4, s19;
	v1 =	vld [tilespmem:s17+$0x30];
	[tilespmem:s16+$0x330 ss:$0x11] =	vst.msk $0xffff, v7  }
.Ltmp4:
0x4c: {  	_ = 	snop;
	(pc) =	sbr.rel .LBB1_4-.Ltmp4, $1  }
0x4d: {  	_ =	sdelay $0x3  }
.LBB1_6:
0x4e: {  	_ =	sfence.sel $0x180000  }
0x4f: {  	s2 =	simm.s32 $0x1;
	[bflag:$0x0] =	sbarrier.arrive $0xFFFF  }
0x50: {  	s31 =	simm.s32 $0x2;
	[sflag:s2] =	ssyncpa.u1 $0x1  }
0x51: {  	[sflag:s31] =	ssyncpa.u1 $0x1  }
0x52: {  	p0 =	sne.s32 s0, $0x0;
	_ =	strace $0x90000047  }
0x53: {  	s0 =	sadd.s32 @!p0 $0x100000, s1;
	[bflag:$0x2] =	sbarrier.arrive $0xFFFF  }
0x54: {  	[sflag:s0] =	ssyncadd.tile.s32 @!p0 $0x1;
	_ =	shalt  }
.Lfunc_end1:
_tile_overlayer_lowered:
.L_overlay_start_2:
0x55: {  	(tag) =	ssettag $0x2  }
0x56: {  	s0 =	rddreg [dreg:$0x0];
	s2 =	stileid.u32  }
0x57: {  	s1 =	rddreg [dreg:$0x1];
	p0 =	sne.s32 s2, $0x0  }
0x58: {  	s3 =	rddreg [dreg:$0x2];
	[bflag:$0x3] =	sbarrier.arrive $0xFFFF;
	s2 =	simm.s32 @!p0 $0x1C01  }
0x59: {  	[timem:s3], [sflag:s2] =	dma.local @!p0 [hbm:s0], s1  }
0x5a: {  	s0 =	simm.s32 @!p0 $0x1  }
0x5b: {  	_ =	swait.ge @!p0 [sflag:s0], s1  }
0x5c: {  	s1 =	ssub.s32 @!p0 $0x0, s1;
	[sflag:s0] =	ssyncset.done @!p0 $0x0  }
0x5d: {  	[sflag:s0] =	ssyncadd.s32 @!p0 s1  }
0x5e: {  	[bflag:$0x3] =	sbarrier.arrive $0xFFFF  }
0x5f: {  	_ =	shalt  }

</sc_bundles>
